<compile_context>
chip_gen: v7x
topology: tpu7x:2x2x1
jax: 0.10.2.dev20260603
libtpu: 0.0.44.dev20260713+nightly
codegen_flags: <defaults>
</compile_context>

<pallas_src>
import functools

import jax
import jax.numpy as jnp
from jax import lax
from jax.experimental import pallas as pl
from jax.experimental.pallas import tpu as pltpu
from jax.experimental.pallas import tpu_sc as plsc

D = 512
T = 50
TP = 56
NC = 2
NS = 16
NW = NC * NS
B = 4096
NCHUNK = B // NW
NBUF = 4


def _emb_body(table_hbm, idx_hbm, out_hbm, idx_v, table_sp,
              buf0, buf1, buf2, buf3,
              gsem0, gsem1, gsem2, gsem3,
              ssem0, ssem1, ssem2, ssem3):
  sid = lax.axis_index("s")
  wid = sid * NC + lax.axis_index("c")
  base = wid * NCHUNK

  @pl.when(sid == 0)
  def _():
    pltpu.sync_copy(table_hbm, table_sp)

  pltpu.sync_copy(idx_hbm.at[pl.ds(base * TP, NCHUNK * TP)], idx_v)
  plsc.subcore_barrier()

  bufs = (buf0, buf1, buf2, buf3)
  gsems = (gsem0, gsem1, gsem2, gsem3)
  ssems = (ssem0, ssem1, ssem2, ssem3)

  def start_gather(j, b):
    pltpu.async_copy(
        table_sp.at[idx_v.at[pl.ds(j * TP, T)]], bufs[b], gsems[b])

  def wait_gather(j, b):
    pltpu.make_async_copy(
        table_sp.at[idx_v.at[pl.ds(j * TP, T)]], bufs[b], gsems[b]).wait()

  def start_scatter(j, b):
    pltpu.async_copy(bufs[b], out_hbm.at[base + j], ssems[b])

  def wait_scatter(j, b):
    pltpu.make_async_copy(bufs[b], out_hbm.at[base + j], ssems[b]).wait()

  for b in range(NBUF):
    start_gather(b, b)

  def body(i, carry):
    j0 = i * NBUF
    for b in range(NBUF):
      j = j0 + b
      wait_gather(j, b)
      start_scatter(j, b)
    for b in range(NBUF):
      j = j0 + b

      @pl.when(j + NBUF < NCHUNK)
      def _():
        wait_scatter(j, b)
        start_gather(j + NBUF, b)

    return carry

  lax.fori_loop(0, NCHUNK // NBUF, body, 0)

  for b in range(NBUF):
    wait_scatter(NCHUNK - NBUF + b, b)


@functools.partial(jax.jit, static_argnames=())
def kernel(tokens, kernel):
  table = kernel
  b, t = tokens.shape
  idx = tokens.astype(jnp.int32)
  idx = jnp.pad(idx, ((0, 0), (0, TP - T))).reshape(-1)

  mesh = plsc.VectorSubcoreMesh(core_axis_name="c", subcore_axis_name="s")
  emb = pl.kernel(
      _emb_body,
      mesh=mesh,
      out_type=jax.ShapeDtypeStruct((B, T, D), jnp.float32),
      compiler_params=pltpu.CompilerParams(use_tc_tiling_on_sc=False),
      scratch_types=(
          [pltpu.VMEM((NCHUNK * TP,), jnp.int32)]
          + [pltpu.VMEM_SHARED((300, D), jnp.float32)]
          + [pltpu.VMEM((T, D), jnp.float32) for _ in range(NBUF)]
          + [pltpu.SemaphoreType.DMA for _ in range(2 * NBUF)]
      ),
  )
  return emb(table, idx)

# --- scband reference (transcript-rebuilt; emitter-appended) ---
"""Pipeline reference for scband-my-word-embedding-87522843559289 (READ-ONLY COPY).

The authoritative reference and input builder live on the scoring server;
editing this copy changes nothing except your own understanding.
"""

import jax, jax.numpy as jnp
import numpy as np


def setup_inputs(seed: int = 0) -> dict:
    key = jax.random.key(seed)
    k1, k2 = jax.random.split(key)
    tokens = jax.random.randint(k1, (4096, 50), 0, 300, dtype=jnp.int64 if jax.config.jax_enable_x64 else jnp.int32)
    # glorot_uniform for (300, 512): limit = sqrt(6 / (300 + 512))
    limit = float(np.sqrt(6.0 / (300 + 512)))
    kernel = jax.random.uniform(k2, (300, 512), dtype=jnp.float32, minval=-limit, maxval=limit)
    return {"tokens": tokens, "kernel": kernel}


def reference(tokens, kernel):
    # tf.nn.embedding_lookup(params=kernel, ids=tokens)
    return jnp.take(kernel, tokens, axis=0)

if __name__ == "__main__":
    import jax
    _d = setup_inputs()
    print(jax.jit(kernel)(*tuple(_d.values())))

</pallas_src>

<mosaic_0001>
#map = affine_map<(d0, d1) -> (0, 0)>
#map1 = affine_map<(d0, d1) -> (0)>
#map2 = affine_map<(d0, d1) -> (0, 0, 0)>
module attributes {stable_mosaic.version = 14 : i64} {
  func.func @_emb_body(%arg0: i32, %arg1: i32, %arg2: memref<300x512xf32, #tpu.memory_space<hbm>>, %arg3: memref<229376xi32, #tpu.memory_space<hbm>>, %arg4: memref<4096x50x512xf32, #tpu.memory_space<hbm>>, %arg5: memref<7168xi32, #tpu.memory_space<vmem>>, %arg6: memref<300x512xf32, #tpu.memory_space<vmem_shared>>, %arg7: memref<50x512xf32, #tpu.memory_space<vmem>>, %arg8: memref<50x512xf32, #tpu.memory_space<vmem>>, %arg9: memref<50x512xf32, #tpu.memory_space<vmem>>, %arg10: memref<50x512xf32, #tpu.memory_space<vmem>>, %arg11: memref<!tpu.dma_semaphore, #tpu.memory_space<semaphore_mem>>, %arg12: memref<!tpu.dma_semaphore, #tpu.memory_space<semaphore_mem>>, %arg13: memref<!tpu.dma_semaphore, #tpu.memory_space<semaphore_mem>>, %arg14: memref<!tpu.dma_semaphore, #tpu.memory_space<semaphore_mem>>, %arg15: memref<!tpu.dma_semaphore, #tpu.memory_space<semaphore_mem>>, %arg16: memref<!tpu.dma_semaphore, #tpu.memory_space<semaphore_mem>>, %arg17: memref<!tpu.dma_semaphore, #tpu.memory_space<semaphore_mem>>, %arg18: memref<!tpu.dma_semaphore, #tpu.memory_space<semaphore_mem>>) attributes {dimension_semantics = [#tpu.dimension_semantics<core_parallel>, #tpu.dimension_semantics<subcore_parallel>], iteration_bounds = array<i64: 2, 16>, scalar_prefetch = 0 : i64, scratch_operands = 14 : i64, tpu.core_type = #tpu.core_type<sc_vector_subcore>, window_params = [{transform_indices = #map}, {transform_indices = #map1}, {transform_indices = #map2}]} {
    %mul3A = arith.constant 2 : i32
    %mul3A_0 = arith.muli %arg1, %mul3A : i32
    %add3A = arith.addi %mul3A_0, %arg0 : i32
    %mul3A_1 = arith.constant 128 : i32
    %mul3A_2 = arith.muli %add3A, %mul3A_1 : i32
    %eq3A = arith.constant 0 : i32
    %eq3A_3 = arith.cmpi eq, %arg1, %eq3A : i32
    %convert_element_type3A = arith.extui %eq3A_3 : i1 to i32
    %cond3A = arith.constant 0 : i32
    %cond3A_4 = arith.cmpi ne, %convert_element_type3A, %cond3A : i32
    scf.if %cond3A_4 {
      "tpu.region"() ({
        %run_scoped3A = tpu.sem_alloc : memref<!tpu.dma_semaphore, #tpu.memory_space<semaphore_mem>>
        tpu.enqueue_dma source(%arg2 : memref<300x512xf32, #tpu.memory_space<hbm>>) target(%arg6 : memref<300x512xf32, #tpu.memory_space<vmem_shared>>) target_semaphore(%run_scoped3A : memref<!tpu.dma_semaphore, #tpu.memory_space<semaphore_mem>>)
        tpu.wait_dma2 semaphore(%run_scoped3A : memref<!tpu.dma_semaphore, #tpu.memory_space<semaphore_mem>>) src(%arg2 : memref<300x512xf32, #tpu.memory_space<hbm>>) dst(%arg6 : memref<300x512xf32, #tpu.memory_space<vmem_shared>>)
        tpu.yield
      }) : () -> ()
    } else {
    }
    %mul3A_5 = arith.constant 56 : i32
    %mul3A_6 = arith.muli %mul3A_2, %mul3A_5 : i32
    "tpu.region"() ({
      %run_scoped3A = tpu.sem_alloc : memref<!tpu.dma_semaphore, #tpu.memory_space<semaphore_mem>>
      %dma_start3A_70 = tpu.memref_slice %arg3[%mul3A_6] : memref<229376xi32, #tpu.memory_space<hbm>> -> memref<7168xi32, #tpu.memory_space<hbm>>
      %dma_start3A_71 = tpu.memref_slice %arg3[%mul3A_6] : memref<229376xi32, #tpu.memory_space<hbm>> -> memref<7168xi32, #tpu.memory_space<hbm>>
      tpu.enqueue_dma source(%dma_start3A_71 : memref<7168xi32, #tpu.memory_space<hbm>>) target(%arg5 : memref<7168xi32, #tpu.memory_space<vmem>>) target_semaphore(%run_scoped3A : memref<!tpu.dma_semaphore, #tpu.memory_space<semaphore_mem>>)
      %dma_wait3A_72 = tpu.memref_slice %arg3[%mul3A_6] : memref<229376xi32, #tpu.memory_space<hbm>> -> memref<7168xi32, #tpu.memory_space<hbm>>
      %dma_wait3A_73 = tpu.memref_slice %arg3[%mul3A_6] : memref<229376xi32, #tpu.memory_space<hbm>> -> memref<7168xi32, #tpu.memory_space<hbm>>
      tpu.wait_dma2 semaphore(%run_scoped3A : memref<!tpu.dma_semaphore, #tpu.memory_space<semaphore_mem>>) src(%dma_wait3A_73 : memref<7168xi32, #tpu.memory_space<hbm>>) dst(%arg5 : memref<7168xi32, #tpu.memory_space<vmem>>)
      tpu.yield
    }) : () -> ()
    %barrier3A = arith.constant 0 : index
    tpu.barrier barrier_id(%barrier3A)
    %dma_start3A = arith.constant 0 : i32
    %dma_start3A_7 = tpu.memref_slice %arg5[%dma_start3A] : memref<7168xi32, #tpu.memory_space<vmem>> -> memref<50xi32, #tpu.memory_space<vmem>>
    %dma_start3A_8 = arith.constant 0 : i32
    %dma_start3A_9 = arith.constant 0 : i32
    %dma_start3A_10 = tpu.memref_slice %arg6[%dma_start3A_8, %dma_start3A_9] : memref<300x512xf32, #tpu.memory_space<vmem_shared>> -> memref<300x512xf32, #tpu.memory_space<vmem_shared>>
    tpu.enqueue_indirect_dma source(%dma_start3A_10 : memref<300x512xf32, #tpu.memory_space<vmem_shared>>) target(%arg7 : memref<50x512xf32, #tpu.memory_space<vmem>>) offsets(%dma_start3A_7 : memref<50xi32, #tpu.memory_space<vmem>>) semaphore(%arg11 : memref<!tpu.dma_semaphore, #tpu.memory_space<semaphore_mem>>)
    %dma_start3A_11 = arith.constant 56 : i32
    %dma_start3A_12 = tpu.memref_slice %arg5[%dma_start3A_11] : memref<7168xi32, #tpu.memory_space<vmem>> -> memref<50xi32, #tpu.memory_space<vmem>>
    %dma_start3A_13 = arith.constant 0 : i32
    %dma_start3A_14 = arith.constant 0 : i32
    %dma_start3A_15 = tpu.memref_slice %arg6[%dma_start3A_13, %dma_start3A_14] : memref<300x512xf32, #tpu.memory_space<vmem_shared>> -> memref<300x512xf32, #tpu.memory_space<vmem_shared>>
    tpu.enqueue_indirect_dma source(%dma_start3A_15 : memref<300x512xf32, #tpu.memory_space<vmem_shared>>) target(%arg8 : memref<50x512xf32, #tpu.memory_space<vmem>>) offsets(%dma_start3A_12 : memref<50xi32, #tpu.memory_space<vmem>>) semaphore(%arg12 : memref<!tpu.dma_semaphore, #tpu.memory_space<semaphore_mem>>)
    %dma_start3A_16 = arith.constant 112 : i32
    %dma_start3A_17 = tpu.memref_slice %arg5[%dma_start3A_16] : memref<7168xi32, #tpu.memory_space<vmem>> -> memref<50xi32, #tpu.memory_space<vmem>>
    %dma_start3A_18 = arith.constant 0 : i32
    %dma_start3A_19 = arith.constant 0 : i32
    %dma_start3A_20 = tpu.memref_slice %arg6[%dma_start3A_18, %dma_start3A_19] : memref<300x512xf32, #tpu.memory_space<vmem_shared>> -> memref<300x512xf32, #tpu.memory_space<vmem_shared>>
    tpu.enqueue_indirect_dma source(%dma_start3A_20 : memref<300x512xf32, #tpu.memory_space<vmem_shared>>) target(%arg9 : memref<50x512xf32, #tpu.memory_space<vmem>>) offsets(%dma_start3A_17 : memref<50xi32, #tpu.memory_space<vmem>>) semaphore(%arg13 : memref<!tpu.dma_semaphore, #tpu.memory_space<semaphore_mem>>)
    %dma_start3A_21 = arith.constant 168 : i32
    %dma_start3A_22 = tpu.memref_slice %arg5[%dma_start3A_21] : memref<7168xi32, #tpu.memory_space<vmem>> -> memref<50xi32, #tpu.memory_space<vmem>>
    %dma_start3A_23 = arith.constant 0 : i32
    %dma_start3A_24 = arith.constant 0 : i32
    %dma_start3A_25 = tpu.memref_slice %arg6[%dma_start3A_23, %dma_start3A_24] : memref<300x512xf32, #tpu.memory_space<vmem_shared>> -> memref<300x512xf32, #tpu.memory_space<vmem_shared>>
    tpu.enqueue_indirect_dma source(%dma_start3A_25 : memref<300x512xf32, #tpu.memory_space<vmem_shared>>) target(%arg10 : memref<50x512xf32, #tpu.memory_space<vmem>>) offsets(%dma_start3A_22 : memref<50xi32, #tpu.memory_space<vmem>>) semaphore(%arg14 : memref<!tpu.dma_semaphore, #tpu.memory_space<semaphore_mem>>)
    %scan3A = arith.constant 0 : i32
    %scan3A_26 = arith.constant 0 : i32
    %scan3A_27 = arith.constant 32 : i32
    %scan3A_28 = arith.addi %scan3A_26, %scan3A_27 : i32
    %scan3A_29 = arith.constant 1 : i32
    scf.for %scan3A_70 = %scan3A_26 to %scan3A_28 step %scan3A_29  : i32 {
      %mul3A_71 = arith.constant 4 : i32
      %mul3A_72 = arith.muli %scan3A_70, %mul3A_71 : i32
      %add3A_73 = arith.constant 0 : i32
      %add3A_74 = arith.addi %mul3A_72, %add3A_73 : i32
      %mul3A_75 = arith.constant 56 : i32
      %mul3A_76 = arith.muli %add3A_74, %mul3A_75 : i32
      %dma_wait3A_77 = tpu.memref_slice %arg5[%mul3A_76] : memref<7168xi32, #tpu.memory_space<vmem>> -> memref<50xi32, #tpu.memory_space<vmem>>
      %dma_wait3A_78 = arith.constant 0 : i32
      %dma_wait3A_79 = arith.constant 0 : i32
      %dma_wait3A_80 = tpu.memref_slice %arg6[%dma_wait3A_78, %dma_wait3A_79] : memref<300x512xf32, #tpu.memory_space<vmem_shared>> -> memref<300x512xf32, #tpu.memory_space<vmem_shared>>
      tpu.wait_indirect_dma semaphore(%arg11 : memref<!tpu.dma_semaphore, #tpu.memory_space<semaphore_mem>>) src(%dma_wait3A_80 : memref<300x512xf32, #tpu.memory_space<vmem_shared>>) dst(%arg7 : memref<50x512xf32, #tpu.memory_space<vmem>>)
      %add3A_81 = arith.addi %mul3A_2, %add3A_74 : i32
      %dma_start3A_82 = arith.constant 0 : i32
      %dma_start3A_83 = arith.constant 0 : i32
      %dma_start3A_84 = tpu.memref_slice %arg4[%add3A_81, %dma_start3A_82, %dma_start3A_83] : memref<4096x50x512xf32, #tpu.memory_space<hbm>> -> memref<1x50x512xf32, #tpu.memory_space<hbm>>
      %dma_start3A_85 = tpu.memref_squeeze %dma_start3A_84 : memref<1x50x512xf32, #tpu.memory_space<hbm>> -> memref<50x512xf32, #tpu.memory_space<hbm>>
      %dma_start3A_86 = arith.constant 0 : i32
      %dma_start3A_87 = arith.constant 0 : i32
      %dma_start3A_88 = tpu.memref_slice %arg4[%add3A_81, %dma_start3A_86, %dma_start3A_87] : memref<4096x50x512xf32, #tpu.memory_space<hbm>> -> memref<1x50x512xf32, #tpu.memory_space<hbm>>
      %dma_start3A_89 = tpu.memref_squeeze %dma_start3A_88 : memref<1x50x512xf32, #tpu.memory_space<hbm>> -> memref<50x512xf32, #tpu.memory_space<hbm>>
      tpu.enqueue_dma source(%arg7 : memref<50x512xf32, #tpu.memory_space<vmem>>) target(%dma_start3A_89 : memref<50x512xf32, #tpu.memory_space<hbm>>) target_semaphore(%arg15 : memref<!tpu.dma_semaphore, #tpu.memory_space<semaphore_mem>>)
      %add3A_90 = arith.constant 1 : i32
      %add3A_91 = arith.addi %mul3A_72, %add3A_90 : i32
      %mul3A_92 = arith.constant 56 : i32
      %mul3A_93 = arith.muli %add3A_91, %mul3A_92 : i32
      %dma_wait3A_94 = tpu.memref_slice %arg5[%mul3A_93] : memref<7168xi32, #tpu.memory_space<vmem>> -> memref<50xi32, #tpu.memory_space<vmem>>
      %dma_wait3A_95 = arith.constant 0 : i32
      %dma_wait3A_96 = arith.constant 0 : i32
      %dma_wait3A_97 = tpu.memref_slice %arg6[%dma_wait3A_95, %dma_wait3A_96] : memref<300x512xf32, #tpu.memory_space<vmem_shared>> -> memref<300x512xf32, #tpu.memory_space<vmem_shared>>
      tpu.wait_indirect_dma semaphore(%arg12 : memref<!tpu.dma_semaphore, #tpu.memory_space<semaphore_mem>>) src(%dma_wait3A_97 : memref<300x512xf32, #tpu.memory_space<vmem_shared>>) dst(%arg8 : memref<50x512xf32, #tpu.memory_space<vmem>>)
      %add3A_98 = arith.addi %mul3A_2, %add3A_91 : i32
      %dma_start3A_99 = arith.constant 0 : i32
      %dma_start3A_100 = arith.constant 0 : i32
      %dma_start3A_101 = tpu.memref_slice %arg4[%add3A_98, %dma_start3A_99, %dma_start3A_100] : memref<4096x50x512xf32, #tpu.memory_space<hbm>> -> memref<1x50x512xf32, #tpu.memory_space<hbm>>
      %dma_start3A_102 = tpu.memref_squeeze %dma_start3A_101 : memref<1x50x512xf32, #tpu.memory_space<hbm>> -> memref<50x512xf32, #tpu.memory_space<hbm>>
      %dma_start3A_103 = arith.constant 0 : i32
      %dma_start3A_104 = arith.constant 0 : i32
      %dma_start3A_105 = tpu.memref_slice %arg4[%add3A_98, %dma_start3A_103, %dma_start3A_104] : memref<4096x50x512xf32, #tpu.memory_space<hbm>> -> memref<1x50x512xf32, #tpu.memory_space<hbm>>
      %dma_start3A_106 = tpu.memref_squeeze %dma_start3A_105 : memref<1x50x512xf32, #tpu.memory_space<hbm>> -> memref<50x512xf32, #tpu.memory_space<hbm>>
      tpu.enqueue_dma source(%arg8 : memref<50x512xf32, #tpu.memory_space<vmem>>) target(%dma_start3A_106 : memref<50x512xf32, #tpu.memory_space<hbm>>) target_semaphore(%arg16 : memref<!tpu.dma_semaphore, #tpu.memory_space<semaphore_mem>>)
      %add3A_107 = arith.constant 2 : i32
      %add3A_108 = arith.addi %mul3A_72, %add3A_107 : i32
      %mul3A_109 = arith.constant 56 : i32
      %mul3A_110 = arith.muli %add3A_108, %mul3A_109 : i32
      %dma_wait3A_111 = tpu.memref_slice %arg5[%mul3A_110] : memref<7168xi32, #tpu.memory_space<vmem>> -> memref<50xi32, #tpu.memory_space<vmem>>
      %dma_wait3A_112 = arith.constant 0 : i32
      %dma_wait3A_113 = arith.constant 0 : i32
      %dma_wait3A_114 = tpu.memref_slice %arg6[%dma_wait3A_112, %dma_wait3A_113] : memref<300x512xf32, #tpu.memory_space<vmem_shared>> -> memref<300x512xf32, #tpu.memory_space<vmem_shared>>
      tpu.wait_indirect_dma semaphore(%arg13 : memref<!tpu.dma_semaphore, #tpu.memory_space<semaphore_mem>>) src(%dma_wait3A_114 : memref<300x512xf32, #tpu.memory_space<vmem_shared>>) dst(%arg9 : memref<50x512xf32, #tpu.memory_space<vmem>>)
      %add3A_115 = arith.addi %mul3A_2, %add3A_108 : i32
      %dma_start3A_116 = arith.constant 0 : i32
      %dma_start3A_117 = arith.constant 0 : i32
      %dma_start3A_118 = tpu.memref_slice %arg4[%add3A_115, %dma_start3A_116, %dma_start3A_117] : memref<4096x50x512xf32, #tpu.memory_space<hbm>> -> memref<1x50x512xf32, #tpu.memory_space<hbm>>
      %dma_start3A_119 = tpu.memref_squeeze %dma_start3A_118 : memref<1x50x512xf32, #tpu.memory_space<hbm>> -> memref<50x512xf32, #tpu.memory_space<hbm>>
      %dma_start3A_120 = arith.constant 0 : i32
      %dma_start3A_121 = arith.constant 0 : i32
      %dma_start3A_122 = tpu.memref_slice %arg4[%add3A_115, %dma_start3A_120, %dma_start3A_121] : memref<4096x50x512xf32, #tpu.memory_space<hbm>> -> memref<1x50x512xf32, #tpu.memory_space<hbm>>
      %dma_start3A_123 = tpu.memref_squeeze %dma_start3A_122 : memref<1x50x512xf32, #tpu.memory_space<hbm>> -> memref<50x512xf32, #tpu.memory_space<hbm>>
      tpu.enqueue_dma source(%arg9 : memref<50x512xf32, #tpu.memory_space<vmem>>) target(%dma_start3A_123 : memref<50x512xf32, #tpu.memory_space<hbm>>) target_semaphore(%arg17 : memref<!tpu.dma_semaphore, #tpu.memory_space<semaphore_mem>>)
      %add3A_124 = arith.constant 3 : i32
      %add3A_125 = arith.addi %mul3A_72, %add3A_124 : i32
      %mul3A_126 = arith.constant 56 : i32
      %mul3A_127 = arith.muli %add3A_125, %mul3A_126 : i32
      %dma_wait3A_128 = tpu.memref_slice %arg5[%mul3A_127] : memref<7168xi32, #tpu.memory_space<vmem>> -> memref<50xi32, #tpu.memory_space<vmem>>
      %dma_wait3A_129 = arith.constant 0 : i32
      %dma_wait3A_130 = arith.constant 0 : i32
      %dma_wait3A_131 = tpu.memref_slice %arg6[%dma_wait3A_129, %dma_wait3A_130] : memref<300x512xf32, #tpu.memory_space<vmem_shared>> -> memref<300x512xf32, #tpu.memory_space<vmem_shared>>
      tpu.wait_indirect_dma semaphore(%arg14 : memref<!tpu.dma_semaphore, #tpu.memory_space<semaphore_mem>>) src(%dma_wait3A_131 : memref<300x512xf32, #tpu.memory_space<vmem_shared>>) dst(%arg10 : memref<50x512xf32, #tpu.memory_space<vmem>>)
      %add3A_132 = arith.addi %mul3A_2, %add3A_125 : i32
      %dma_start3A_133 = arith.constant 0 : i32
      %dma_start3A_134 = arith.constant 0 : i32
      %dma_start3A_135 = tpu.memref_slice %arg4[%add3A_132, %dma_start3A_133, %dma_start3A_134] : memref<4096x50x512xf32, #tpu.memory_space<hbm>> -> memref<1x50x512xf32, #tpu.memory_space<hbm>>
      %dma_start3A_136 = tpu.memref_squeeze %dma_start3A_135 : memref<1x50x512xf32, #tpu.memory_space<hbm>> -> memref<50x512xf32, #tpu.memory_space<hbm>>
      %dma_start3A_137 = arith.constant 0 : i32
      %dma_start3A_138 = arith.constant 0 : i32
      %dma_start3A_139 = tpu.memref_slice %arg4[%add3A_132, %dma_start3A_137, %dma_start3A_138] : memref<4096x50x512xf32, #tpu.memory_space<hbm>> -> memref<1x50x512xf32, #tpu.memory_space<hbm>>
      %dma_start3A_140 = tpu.memref_squeeze %dma_start3A_139 : memref<1x50x512xf32, #tpu.memory_space<hbm>> -> memref<50x512xf32, #tpu.memory_space<hbm>>
      tpu.enqueue_dma source(%arg10 : memref<50x512xf32, #tpu.memory_space<vmem>>) target(%dma_start3A_140 : memref<50x512xf32, #tpu.memory_space<hbm>>) target_semaphore(%arg18 : memref<!tpu.dma_semaphore, #tpu.memory_space<semaphore_mem>>)
      %add3A_141 = arith.constant 0 : i32
      %add3A_142 = arith.addi %mul3A_72, %add3A_141 : i32
      %add3A_143 = arith.constant 4 : i32
      %add3A_144 = arith.addi %add3A_142, %add3A_143 : i32
      %lt3A = arith.constant 128 : i32
      %lt3A_145 = arith.cmpi slt, %add3A_144, %lt3A : i32
      %convert_element_type3A_146 = arith.extui %lt3A_145 : i1 to i32
      %cond3A_147 = arith.constant 0 : i32
      %cond3A_148 = arith.cmpi ne, %convert_element_type3A_146, %cond3A_147 : i32
      scf.if %cond3A_148 {
        %add3A_176 = arith.addi %mul3A_2, %add3A_142 : i32
        %dma_wait3A_177 = arith.constant 0 : i32
        %dma_wait3A_178 = arith.constant 0 : i32
        %dma_wait3A_179 = tpu.memref_slice %arg4[%add3A_176, %dma_wait3A_177, %dma_wait3A_178] : memref<4096x50x512xf32, #tpu.memory_space<hbm>> -> memref<1x50x512xf32, #tpu.memory_space<hbm>>
        %dma_wait3A_180 = tpu.memref_squeeze %dma_wait3A_179 : memref<1x50x512xf32, #tpu.memory_space<hbm>> -> memref<50x512xf32, #tpu.memory_space<hbm>>
        %dma_wait3A_181 = arith.constant 0 : i32
        %dma_wait3A_182 = arith.constant 0 : i32
        %dma_wait3A_183 = tpu.memref_slice %arg4[%add3A_176, %dma_wait3A_181, %dma_wait3A_182] : memref<4096x50x512xf32, #tpu.memory_space<hbm>> -> memref<1x50x512xf32, #tpu.memory_space<hbm>>
        %dma_wait3A_184 = tpu.memref_squeeze %dma_wait3A_183 : memref<1x50x512xf32, #tpu.memory_space<hbm>> -> memref<50x512xf32, #tpu.memory_space<hbm>>
        tpu.wait_dma2 semaphore(%arg15 : memref<!tpu.dma_semaphore, #tpu.memory_space<semaphore_mem>>) src(%arg7 : memref<50x512xf32, #tpu.memory_space<vmem>>) dst(%dma_wait3A_184 : memref<50x512xf32, #tpu.memory_space<hbm>>)
        %add3A_185 = arith.constant 4 : i32
        %add3A_186 = arith.addi %add3A_142, %add3A_185 : i32
        %mul3A_187 = arith.constant 56 : i32
        %mul3A_188 = arith.muli %add3A_186, %mul3A_187 : i32
        %dma_start3A_189 = tpu.memref_slice %arg5[%mul3A_188] : memref<7168xi32, #tpu.memory_space<vmem>> -> memref<50xi32, #tpu.memory_space<vmem>>
        %dma_start3A_190 = arith.constant 0 : i32
        %dma_start3A_191 = arith.constant 0 : i32
        %dma_start3A_192 = tpu.memref_slice %arg6[%dma_start3A_190, %dma_start3A_191] : memref<300x512xf32, #tpu.memory_space<vmem_shared>> -> memref<300x512xf32, #tpu.memory_space<vmem_shared>>
        tpu.enqueue_indirect_dma source(%dma_start3A_192 : memref<300x512xf32, #tpu.memory_space<vmem_shared>>) target(%arg7 : memref<50x512xf32, #tpu.memory_space<vmem>>) offsets(%dma_start3A_189 : memref<50xi32, #tpu.memory_space<vmem>>) semaphore(%arg11 : memref<!tpu.dma_semaphore, #tpu.memory_space<semaphore_mem>>)
      } else {
      }
      %add3A_149 = arith.constant 1 : i32
      %add3A_150 = arith.addi %mul3A_72, %add3A_149 : i32
      %add3A_151 = arith.constant 4 : i32
      %add3A_152 = arith.addi %add3A_150, %add3A_151 : i32
      %lt3A_153 = arith.constant 128 : i32
      %lt3A_154 = arith.cmpi slt, %add3A_152, %lt3A_153 : i32
      %convert_element_type3A_155 = arith.extui %lt3A_154 : i1 to i32
      %cond3A_156 = arith.constant 0 : i32
      %cond3A_157 = arith.cmpi ne, %convert_element_type3A_155, %cond3A_156 : i32
      scf.if %cond3A_157 {
        %add3A_176 = arith.addi %mul3A_2, %add3A_150 : i32
        %dma_wait3A_177 = arith.constant 0 : i32
        %dma_wait3A_178 = arith.constant 0 : i32
        %dma_wait3A_179 = tpu.memref_slice %arg4[%add3A_176, %dma_wait3A_177, %dma_wait3A_178] : memref<4096x50x512xf32, #tpu.memory_space<hbm>> -> memref<1x50x512xf32, #tpu.memory_space<hbm>>
        %dma_wait3A_180 = tpu.memref_squeeze %dma_wait3A_179 : memref<1x50x512xf32, #tpu.memory_space<hbm>> -> memref<50x512xf32, #tpu.memory_space<hbm>>
        %dma_wait3A_181 = arith.constant 0 : i32
        %dma_wait3A_182 = arith.constant 0 : i32
        %dma_wait3A_183 = tpu.memref_slice %arg4[%add3A_176, %dma_wait3A_181, %dma_wait3A_182] : memref<4096x50x512xf32, #tpu.memory_space<hbm>> -> memref<1x50x512xf32, #tpu.memory_space<hbm>>
        %dma_wait3A_184 = tpu.memref_squeeze %dma_wait3A_183 : memref<1x50x512xf32, #tpu.memory_space<hbm>> -> memref<50x512xf32, #tpu.memory_space<hbm>>
        tpu.wait_dma2 semaphore(%arg16 : memref<!tpu.dma_semaphore, #tpu.memory_space<semaphore_mem>>) src(%arg8 : memref<50x512xf32, #tpu.memory_space<vmem>>) dst(%dma_wait3A_184 : memref<50x512xf32, #tpu.memory_space<hbm>>)
        %add3A_185 = arith.constant 4 : i32
        %add3A_186 = arith.addi %add3A_150, %add3A_185 : i32
        %mul3A_187 = arith.constant 56 : i32
        %mul3A_188 = arith.muli %add3A_186, %mul3A_187 : i32
        %dma_start3A_189 = tpu.memref_slice %arg5[%mul3A_188] : memref<7168xi32, #tpu.memory_space<vmem>> -> memref<50xi32, #tpu.memory_space<vmem>>
        %dma_start3A_190 = arith.constant 0 : i32
        %dma_start3A_191 = arith.constant 0 : i32
        %dma_start3A_192 = tpu.memref_slice %arg6[%dma_start3A_190, %dma_start3A_191] : memref<300x512xf32, #tpu.memory_space<vmem_shared>> -> memref<300x512xf32, #tpu.memory_space<vmem_shared>>
        tpu.enqueue_indirect_dma source(%dma_start3A_192 : memref<300x512xf32, #tpu.memory_space<vmem_shared>>) target(%arg8 : memref<50x512xf32, #tpu.memory_space<vmem>>) offsets(%dma_start3A_189 : memref<50xi32, #tpu.memory_space<vmem>>) semaphore(%arg12 : memref<!tpu.dma_semaphore, #tpu.memory_space<semaphore_mem>>)
      } else {
      }
      %add3A_158 = arith.constant 2 : i32
      %add3A_159 = arith.addi %mul3A_72, %add3A_158 : i32
      %add3A_160 = arith.constant 4 : i32
      %add3A_161 = arith.addi %add3A_159, %add3A_160 : i32
      %lt3A_162 = arith.constant 128 : i32
      %lt3A_163 = arith.cmpi slt, %add3A_161, %lt3A_162 : i32
      %convert_element_type3A_164 = arith.extui %lt3A_163 : i1 to i32
      %cond3A_165 = arith.constant 0 : i32
      %cond3A_166 = arith.cmpi ne, %convert_element_type3A_164, %cond3A_165 : i32
      scf.if %cond3A_166 {
        %add3A_176 = arith.addi %mul3A_2, %add3A_159 : i32
        %dma_wait3A_177 = arith.constant 0 : i32
        %dma_wait3A_178 = arith.constant 0 : i32
        %dma_wait3A_179 = tpu.memref_slice %arg4[%add3A_176, %dma_wait3A_177, %dma_wait3A_178] : memref<4096x50x512xf32, #tpu.memory_space<hbm>> -> memref<1x50x512xf32, #tpu.memory_space<hbm>>
        %dma_wait3A_180 = tpu.memref_squeeze %dma_wait3A_179 : memref<1x50x512xf32, #tpu.memory_space<hbm>> -> memref<50x512xf32, #tpu.memory_space<hbm>>
        %dma_wait3A_181 = arith.constant 0 : i32
        %dma_wait3A_182 = arith.constant 0 : i32
        %dma_wait3A_183 = tpu.memref_slice %arg4[%add3A_176, %dma_wait3A_181, %dma_wait3A_182] : memref<4096x50x512xf32, #tpu.memory_space<hbm>> -> memref<1x50x512xf32, #tpu.memory_space<hbm>>
        %dma_wait3A_184 = tpu.memref_squeeze %dma_wait3A_183 : memref<1x50x512xf32, #tpu.memory_space<hbm>> -> memref<50x512xf32, #tpu.memory_space<hbm>>
        tpu.wait_dma2 semaphore(%arg17 : memref<!tpu.dma_semaphore, #tpu.memory_space<semaphore_mem>>) src(%arg9 : memref<50x512xf32, #tpu.memory_space<vmem>>) dst(%dma_wait3A_184 : memref<50x512xf32, #tpu.memory_space<hbm>>)
        %add3A_185 = arith.constant 4 : i32
        %add3A_186 = arith.addi %add3A_159, %add3A_185 : i32
        %mul3A_187 = arith.constant 56 : i32
        %mul3A_188 = arith.muli %add3A_186, %mul3A_187 : i32
        %dma_start3A_189 = tpu.memref_slice %arg5[%mul3A_188] : memref<7168xi32, #tpu.memory_space<vmem>> -> memref<50xi32, #tpu.memory_space<vmem>>
        %dma_start3A_190 = arith.constant 0 : i32
        %dma_start3A_191 = arith.constant 0 : i32
        %dma_start3A_192 = tpu.memref_slice %arg6[%dma_start3A_190, %dma_start3A_191] : memref<300x512xf32, #tpu.memory_space<vmem_shared>> -> memref<300x512xf32, #tpu.memory_space<vmem_shared>>
        tpu.enqueue_indirect_dma source(%dma_start3A_192 : memref<300x512xf32, #tpu.memory_space<vmem_shared>>) target(%arg9 : memref<50x512xf32, #tpu.memory_space<vmem>>) offsets(%dma_start3A_189 : memref<50xi32, #tpu.memory_space<vmem>>) semaphore(%arg13 : memref<!tpu.dma_semaphore, #tpu.memory_space<semaphore_mem>>)
      } else {
      }
      %add3A_167 = arith.constant 3 : i32
      %add3A_168 = arith.addi %mul3A_72, %add3A_167 : i32
      %add3A_169 = arith.constant 4 : i32
      %add3A_170 = arith.addi %add3A_168, %add3A_169 : i32
      %lt3A_171 = arith.constant 128 : i32
      %lt3A_172 = arith.cmpi slt, %add3A_170, %lt3A_171 : i32
      %convert_element_type3A_173 = arith.extui %lt3A_172 : i1 to i32
      %cond3A_174 = arith.constant 0 : i32
      %cond3A_175 = arith.cmpi ne, %convert_element_type3A_173, %cond3A_174 : i32
      scf.if %cond3A_175 {
        %add3A_176 = arith.addi %mul3A_2, %add3A_168 : i32
        %dma_wait3A_177 = arith.constant 0 : i32
        %dma_wait3A_178 = arith.constant 0 : i32
        %dma_wait3A_179 = tpu.memref_slice %arg4[%add3A_176, %dma_wait3A_177, %dma_wait3A_178] : memref<4096x50x512xf32, #tpu.memory_space<hbm>> -> memref<1x50x512xf32, #tpu.memory_space<hbm>>
        %dma_wait3A_180 = tpu.memref_squeeze %dma_wait3A_179 : memref<1x50x512xf32, #tpu.memory_space<hbm>> -> memref<50x512xf32, #tpu.memory_space<hbm>>
        %dma_wait3A_181 = arith.constant 0 : i32
        %dma_wait3A_182 = arith.constant 0 : i32
        %dma_wait3A_183 = tpu.memref_slice %arg4[%add3A_176, %dma_wait3A_181, %dma_wait3A_182] : memref<4096x50x512xf32, #tpu.memory_space<hbm>> -> memref<1x50x512xf32, #tpu.memory_space<hbm>>
        %dma_wait3A_184 = tpu.memref_squeeze %dma_wait3A_183 : memref<1x50x512xf32, #tpu.memory_space<hbm>> -> memref<50x512xf32, #tpu.memory_space<hbm>>
        tpu.wait_dma2 semaphore(%arg18 : memref<!tpu.dma_semaphore, #tpu.memory_space<semaphore_mem>>) src(%arg10 : memref<50x512xf32, #tpu.memory_space<vmem>>) dst(%dma_wait3A_184 : memref<50x512xf32, #tpu.memory_space<hbm>>)
        %add3A_185 = arith.constant 4 : i32
        %add3A_186 = arith.addi %add3A_168, %add3A_185 : i32
        %mul3A_187 = arith.constant 56 : i32
        %mul3A_188 = arith.muli %add3A_186, %mul3A_187 : i32
        %dma_start3A_189 = tpu.memref_slice %arg5[%mul3A_188] : memref<7168xi32, #tpu.memory_space<vmem>> -> memref<50xi32, #tpu.memory_space<vmem>>
        %dma_start3A_190 = arith.constant 0 : i32
        %dma_start3A_191 = arith.constant 0 : i32
        %dma_start3A_192 = tpu.memref_slice %arg6[%dma_start3A_190, %dma_start3A_191] : memref<300x512xf32, #tpu.memory_space<vmem_shared>> -> memref<300x512xf32, #tpu.memory_space<vmem_shared>>
        tpu.enqueue_indirect_dma source(%dma_start3A_192 : memref<300x512xf32, #tpu.memory_space<vmem_shared>>) target(%arg10 : memref<50x512xf32, #tpu.memory_space<vmem>>) offsets(%dma_start3A_189 : memref<50xi32, #tpu.memory_space<vmem>>) semaphore(%arg14 : memref<!tpu.dma_semaphore, #tpu.memory_space<semaphore_mem>>)
      } else {
      }
    }
    %scan3A_30 = arith.constant 32 : i32
    %add3A_31 = arith.constant 124 : i32
    %add3A_32 = arith.addi %mul3A_2, %add3A_31 : i32
    %dma_wait3A = arith.constant 0 : i32
    %dma_wait3A_33 = arith.constant 0 : i32
    %dma_wait3A_34 = tpu.memref_slice %arg4[%add3A_32, %dma_wait3A, %dma_wait3A_33] : memref<4096x50x512xf32, #tpu.memory_space<hbm>> -> memref<1x50x512xf32, #tpu.memory_space<hbm>>
    %dma_wait3A_35 = tpu.memref_squeeze %dma_wait3A_34 : memref<1x50x512xf32, #tpu.memory_space<hbm>> -> memref<50x512xf32, #tpu.memory_space<hbm>>
    %dma_wait3A_36 = arith.constant 0 : i32
    %dma_wait3A_37 = arith.constant 0 : i32
    %dma_wait3A_38 = tpu.memref_slice %arg4[%add3A_32, %dma_wait3A_36, %dma_wait3A_37] : memref<4096x50x512xf32, #tpu.memory_space<hbm>> -> memref<1x50x512xf32, #tpu.memory_space<hbm>>
    %dma_wait3A_39 = tpu.memref_squeeze %dma_wait3A_38 : memref<1x50x512xf32, #tpu.memory_space<hbm>> -> memref<50x512xf32, #tpu.memory_space<hbm>>
    tpu.wait_dma2 semaphore(%arg15 : memref<!tpu.dma_semaphore, #tpu.memory_space<semaphore_mem>>) src(%arg7 : memref<50x512xf32, #tpu.memory_space<vmem>>) dst(%dma_wait3A_39 : memref<50x512xf32, #tpu.memory_space<hbm>>)
    %add3A_40 = arith.constant 125 : i32
    %add3A_41 = arith.addi %mul3A_2, %add3A_40 : i32
    %dma_wait3A_42 = arith.constant 0 : i32
    %dma_wait3A_43 = arith.constant 0 : i32
    %dma_wait3A_44 = tpu.memref_slice %arg4[%add3A_41, %dma_wait3A_42, %dma_wait3A_43] : memref<4096x50x512xf32, #tpu.memory_space<hbm>> -> memref<1x50x512xf32, #tpu.memory_space<hbm>>
    %dma_wait3A_45 = tpu.memref_squeeze %dma_wait3A_44 : memref<1x50x512xf32, #tpu.memory_space<hbm>> -> memref<50x512xf32, #tpu.memory_space<hbm>>
    %dma_wait3A_46 = arith.constant 0 : i32
    %dma_wait3A_47 = arith.constant 0 : i32
    %dma_wait3A_48 = tpu.memref_slice %arg4[%add3A_41, %dma_wait3A_46, %dma_wait3A_47] : memref<4096x50x512xf32, #tpu.memory_space<hbm>> -> memref<1x50x512xf32, #tpu.memory_space<hbm>>
    %dma_wait3A_49 = tpu.memref_squeeze %dma_wait3A_48 : memref<1x50x512xf32, #tpu.memory_space<hbm>> -> memref<50x512xf32, #tpu.memory_space<hbm>>
    tpu.wait_dma2 semaphore(%arg16 : memref<!tpu.dma_semaphore, #tpu.memory_space<semaphore_mem>>) src(%arg8 : memref<50x512xf32, #tpu.memory_space<vmem>>) dst(%dma_wait3A_49 : memref<50x512xf32, #tpu.memory_space<hbm>>)
    %add3A_50 = arith.constant 126 : i32
    %add3A_51 = arith.addi %mul3A_2, %add3A_50 : i32
    %dma_wait3A_52 = arith.constant 0 : i32
    %dma_wait3A_53 = arith.constant 0 : i32
    %dma_wait3A_54 = tpu.memref_slice %arg4[%add3A_51, %dma_wait3A_52, %dma_wait3A_53] : memref<4096x50x512xf32, #tpu.memory_space<hbm>> -> memref<1x50x512xf32, #tpu.memory_space<hbm>>
    %dma_wait3A_55 = tpu.memref_squeeze %dma_wait3A_54 : memref<1x50x512xf32, #tpu.memory_space<hbm>> -> memref<50x512xf32, #tpu.memory_space<hbm>>
    %dma_wait3A_56 = arith.constant 0 : i32
    %dma_wait3A_57 = arith.constant 0 : i32
    %dma_wait3A_58 = tpu.memref_slice %arg4[%add3A_51, %dma_wait3A_56, %dma_wait3A_57] : memref<4096x50x512xf32, #tpu.memory_space<hbm>> -> memref<1x50x512xf32, #tpu.memory_space<hbm>>
    %dma_wait3A_59 = tpu.memref_squeeze %dma_wait3A_58 : memref<1x50x512xf32, #tpu.memory_space<hbm>> -> memref<50x512xf32, #tpu.memory_space<hbm>>
    tpu.wait_dma2 semaphore(%arg17 : memref<!tpu.dma_semaphore, #tpu.memory_space<semaphore_mem>>) src(%arg9 : memref<50x512xf32, #tpu.memory_space<vmem>>) dst(%dma_wait3A_59 : memref<50x512xf32, #tpu.memory_space<hbm>>)
    %add3A_60 = arith.constant 127 : i32
    %add3A_61 = arith.addi %mul3A_2, %add3A_60 : i32
    %dma_wait3A_62 = arith.constant 0 : i32
    %dma_wait3A_63 = arith.constant 0 : i32
    %dma_wait3A_64 = tpu.memref_slice %arg4[%add3A_61, %dma_wait3A_62, %dma_wait3A_63] : memref<4096x50x512xf32, #tpu.memory_space<hbm>> -> memref<1x50x512xf32, #tpu.memory_space<hbm>>
    %dma_wait3A_65 = tpu.memref_squeeze %dma_wait3A_64 : memref<1x50x512xf32, #tpu.memory_space<hbm>> -> memref<50x512xf32, #tpu.memory_space<hbm>>
    %dma_wait3A_66 = arith.constant 0 : i32
    %dma_wait3A_67 = arith.constant 0 : i32
    %dma_wait3A_68 = tpu.memref_slice %arg4[%add3A_61, %dma_wait3A_66, %dma_wait3A_67] : memref<4096x50x512xf32, #tpu.memory_space<hbm>> -> memref<1x50x512xf32, #tpu.memory_space<hbm>>
    %dma_wait3A_69 = tpu.memref_squeeze %dma_wait3A_68 : memref<1x50x512xf32, #tpu.memory_space<hbm>> -> memref<50x512xf32, #tpu.memory_space<hbm>>
    tpu.wait_dma2 semaphore(%arg18 : memref<!tpu.dma_semaphore, #tpu.memory_space<semaphore_mem>>) src(%arg10 : memref<50x512xf32, #tpu.memory_space<vmem>>) dst(%dma_wait3A_69 : memref<50x512xf32, #tpu.memory_space<hbm>>)
    return
  }
}

</mosaic_0001>

<sc_bundles>
// kernel: kernel.4.cloned.1.call-start
scs
__scs_entry_jumppad:
0x0: {  	(pc) =	sbr.rel $0x88, $3  }
0x1: {  	(tag) =	ssettag $0x0;
	lr =	simm.s32 $0x1  }
0x2: {  	[smem:$0x3F9F] =	sst lr;
	_ =	strace $0xD0000000  }
0x3: {  	_ = 	snop  }
0x4: {  	_ = 	snop  }
0x5: {  	_ = 	snop  }
0x6: {  	_ = 	snop  }
0x7: {  	_ = 	snop  }
__scs_overlays_trampoline_lowered:
0x8: {  	[smem:$0x3FAE] =	sst s0  }
0x9: {  	[smem:$0x3FAF] =	sst s1  }
0xa: {  	[smem:$0x3FB0] =	sst s2  }
0xb: {  	[smem:$0x3FB1] =	sst s3  }
0xc: {  	[smem:$0x3FB2] =	sst s4  }
0xd: {  	[smem:$0x3FB3] =	sst s5  }
0xe: {  	[smem:$0x3FB4] =	sst s6  }
0xf: {  	[smem:$0x3FB5] =	sst s7  }
0x10: {  	[smem:$0x3FB6] =	sst s8  }
0x11: {  	[smem:$0x3FB7] =	sst s9;
	s0 =	simm.s32 @!p0 $0x0  }
0x12: {  	s1 =	sld [smem:$0x3F9D];
	s0 =	simm.s32 @p0 $0x1  }
0x13: {  	[smem:$0x3FB8] =	sst s0;
	s0 =	simm.s32 @!p1 $0x0  }
0x14: {  	s2 =	sld [smem:$0x3F9C];
	s0 =	simm.s32 @p1 $0x1  }
0x15: {  	[smem:$0x3FB9] =	sst s0;
	s0 =	simm.s32 @!p2 $0x0  }
0x16: {  	s3 =	sld [smem:$0x3FDB];
	s0 =	simm.s32 @p2 $0x1  }
0x17: {  	s4 =	simm.s32 $0x1BF5;
	[smem:$0x3FBB] =	sst s0  }
0x18: {  	s0 =	sld [smem:$0x3F9E];
	_ =	swait.ge [sflag:s4], $0x0  }
0x19: {  	s7 =	sld [smem:$0x3F9F]  }
0x1a: {  	s8 =	sadd.s32 $0xFFFFE003, lr  }
0x1b: {  	s9 =	sadd.s32 $0xFFFFFEF7, lr;
	s5 =	simm.s32 $0xFFFFFFFF;
	p2 =	slt.u32 s8, $0xFFFFF086  }
0x1c: {  	p1 =	slt.u32 s9, $0xF7A;
	s5 =	simm.s32 @!p2 $0x0  }
0x1d: {  	s5 =	simm.s32 @p1 $0x1;
	p0 =	seq.s32 s7, s2  }
0x1e: {  	s7 =	smul.u32 @!p0 $0xF7A, s2;
	p2 =	seq.s32 @!p0 s5, $0x0  }
0x1f: {  	s9 =	smul.u32 $0xF7A, s1;
	s8 =	simm.s32 @!p0 $0x1BF5;
	p2 =	por !p2, p0  }
0x20: {  	[sflag:s8] =	ssyncset.s32 @!p0 $0xFFFFF086;
	s6 =	sadd.s32 @!p0 s3, s7;
	s7 =	simm.s32 @!p0 $0x108  }
0x21: {  	s3 =	sadd.s32 s3, s9;
	s6 =	sadd.s32 @!p0 $0x88, s6;
	s7 =	simm.s32 @p2 $0x1082  }
0x22: {  	[simem:s7], [sflag:s8] =	dma.local @!p0 [hbm:s6], $0xF7A  }
0x23: {  	s9 =	sor.u32 $0xD0000000, s2;
	s6 =	simm.s32 $0x108;
	_ =	swait.ge @!p0 [sflag:s8], $0x0  }
0x24: {  	s3 =	sadd.s32 $0x88, s3;
	s6 =	simm.s32 @!p1 $0x1082;
	[sflag:s4] =	ssyncset.s32 $0xFFFFF086  }
0x25: {  	[simem:s6], [sflag:s4] =	dma.local [hbm:s3], $0xF7A  }
0x26: {  	[smem:$0x3F9F] =	sst s1;
	(tag) =	ssettag s2;
	_ =	strace s9  }
0x27: {  	s1 =	sld [smem:$0x3FAF]  }
0x28: {  	s2 =	sld [smem:$0x3FB0]  }
0x29: {  	s4 =	sld [smem:$0x3FB2]  }
0x2a: {  	p0 =	seq.s32 s5, $0x0;
	s5 =	sld [smem:$0x3FB3]  }
0x2b: {  	s6 =	sld [smem:$0x3FB4]  }
0x2c: {  	s7 =	sld [smem:$0x3FB5]  }
0x2d: {  	s3 =	simm.s32 $0x108;
	s8 =	sld [smem:$0x3FB6]  }
0x2e: {  	s3 =	simm.s32 @!p0 $0x1082;
	s9 =	sld [smem:$0x3FB7]  }
0x2f: {  	lr =	sadd.s32 s0, s3;
	s0 =	sld [smem:$0x3FAE]  }
0x30: {  	s3 =	sld [smem:$0x3FB1]  }
0x31: {  	[smem:$0x3FBA] =	sst s10  }
0x32: {  	s10 =	sld [smem:$0x3FB8];
	_ =	sdelay $0x3  }
0x33: {  	p0 =	seq.s32 s10, $0x1;
	s10 =	sld [smem:$0x3FBA];
	_ =	sdelay $0x3  }
0x34: {  	[smem:$0x3FBA] =	sst s10  }
0x35: {  	s10 =	sld [smem:$0x3FB9];
	_ =	sdelay $0x3  }
0x36: {  	p1 =	seq.s32 s10, $0x1;
	s10 =	sld [smem:$0x3FBA];
	_ =	sdelay $0x3  }
0x37: {  	[smem:$0x3FBA] =	sst s10  }
0x38: {  	s10 =	sld [smem:$0x3FBB]  }
0x39: {  	_ = 	snop;
	(pc) =	sbr.ind lr, $3  }
0x3a: {  	_ = 	snop  }
0x3b: {  	_ = 	snop  }
0x3c: {  	p2 =	seq.s32 s10, $0x1;
	s10 =	sld [smem:$0x3FBA]  }
0x3d: {  	_ =	shalt  }
0x3e: {  	_ =	shalt  }
0x3f: {  	_ =	shalt  }
0x40: {  	_ =	shalt  }
0x41: {  	_ =	shalt  }
0x42: {  	_ =	shalt  }
0x43: {  	_ =	shalt  }
0x44: {  	_ =	shalt  }
0x45: {  	_ =	shalt  }
0x46: {  	_ =	shalt  }
0x47: {  	_ =	shalt  }
0x48: {  	_ =	shalt  }
0x49: {  	_ =	shalt  }
0x4a: {  	_ =	shalt  }
0x4b: {  	_ =	shalt  }
0x4c: {  	_ =	shalt  }
0x4d: {  	_ =	shalt  }
0x4e: {  	_ =	shalt  }
0x4f: {  	_ =	shalt  }
0x50: {  	_ =	shalt  }
0x51: {  	_ =	shalt  }
0x52: {  	_ =	shalt  }
0x53: {  	_ =	shalt  }
0x54: {  	_ =	shalt  }
0x55: {  	_ =	shalt  }
0x56: {  	_ =	shalt  }
0x57: {  	_ =	shalt  }
0x58: {  	_ =	shalt  }
0x59: {  	_ =	shalt  }
0x5a: {  	_ =	shalt  }
0x5b: {  	_ =	shalt  }
0x5c: {  	_ =	shalt  }
0x5d: {  	_ =	shalt  }
0x5e: {  	_ =	shalt  }
0x5f: {  	_ =	shalt  }
0x60: {  	_ =	shalt  }
0x61: {  	_ =	shalt  }
0x62: {  	_ =	shalt  }
0x63: {  	_ =	shalt  }
0x64: {  	_ =	shalt  }
0x65: {  	_ =	shalt  }
0x66: {  	_ =	shalt  }
0x67: {  	_ =	shalt  }
0x68: {  	_ =	shalt  }
0x69: {  	_ =	shalt  }
0x6a: {  	_ =	shalt  }
0x6b: {  	_ =	shalt  }
0x6c: {  	_ =	shalt  }
0x6d: {  	_ =	shalt  }
0x6e: {  	_ =	shalt  }
0x6f: {  	_ =	shalt  }
0x70: {  	_ =	shalt  }
0x71: {  	_ =	shalt  }
0x72: {  	_ =	shalt  }
0x73: {  	_ =	shalt  }
0x74: {  	_ =	shalt  }
0x75: {  	_ =	shalt  }
0x76: {  	_ =	shalt  }
0x77: {  	_ =	shalt  }
0x78: {  	_ =	shalt  }
0x79: {  	_ =	shalt  }
0x7a: {  	_ =	shalt  }
0x7b: {  	_ =	shalt  }
0x7c: {  	_ =	shalt  }
0x7d: {  	_ =	shalt  }
0x7e: {  	_ =	shalt  }
0x7f: {  	_ =	shalt  }
0x80: {  	_ =	shalt  }
0x81: {  	_ =	shalt  }
0x82: {  	_ =	shalt  }
0x83: {  	_ =	shalt  }
0x84: {  	_ =	shalt  }
0x85: {  	_ =	shalt  }
0x86: {  	_ =	shalt  }
0x87: {  	_ =	shalt  }
.Lfunc_end0:
.L_simem_size_0:
called_computation.1_lowered:
.L_overlay_start_0:
0x88: {  	s2 =	sld [smem:$0x3FD9]  }
0x89: {  	s3 =	sld [smem:$0x3FFE];
	_ =	sdelay $0x1  }
0x8a: {  	s1 =	srdreg.scid  }
0x8b: {  	s0 =	sand.u32 $0x1, s1  }
0x8c: {  	s17 =	sshll.u32 s0, $0xA;
	s2 =	sadd.s32 s3, s2  }
0x8d: {  	s2 =	sadd.s32 s2, s17  }
0x8e: {  	[smem:$0x3FC6] =	sst s2  }
0x8f: {  	_ = 	snop  }
0x90: {  	s2 =	sld [smem:$0x3FD0];
	(tm) =	ssettm $0x1  }
0x91: {  	s18 =	sld [smem:$0x3FFB];
	_ =	sdelay $0x3  }
0x92: {  	_ =	strace s18  }
0x93: {  	s3 =	sld [smem:$0x3FFC];
	_ =	sdelay $0x3  }
0x94: {  	_ =	strace s3  }
0x95: {  	s3 =	sld [smem:$0x3FFD];
	_ =	sdelay $0x3  }
0x96: {  	_ =	strace s3  }
0x97: {  	_ =	strace $0x8FFFFFFF  }
0x98: {  	s19 =	sld [smem:$0x3FDB];
	_ =	sdelay $0x1  }
0x99: {  	s4 =	simm.s32 $_scs_section_size  }
0x9a: {  	s5 =	simm.s32 $_size__tile_overlayer_lowered;
	s6 =	simm.s32 $_tile_overlayer_lowered  }
0x9b: {  	s22 =	simm.s32 $0x1BFF;
	s21 =	sshll.u32 s6, $0x1;
	s3 =	sadd.s32 s4, s19  }
0x9c: {  	s7 =	simm.s32 $0x0;
	s20 =	sshll.u32 s5, $0x1;
	s5 =	sadd.s32 s21, s3  }
0x9d: {  	[timem:s7], [sflag:s22] =	dma.local [hbm:s5], s20  }
0x9e: {  	_ =	swait.ge [sflag:s22], s20  }
0x9f: {  	s4 =	ssub.s32 $0x0, s20;
	[sflag:s22] =	ssyncset.done $0x0  }
0xa0: {  	[sflag:s22] =	ssyncadd.s32 s4;
	_ =	sdelay $0x1  }
0xa1: {  	s23 =	simm.s32 $0x1B8B  }
0xa2: {  	_ =	swait.ge [sflag:s23], $0x1  }
0xa3: {  	[sflag:s23] =	ssyncset.done $0x0  }
0xa4: {  	s25 =	simm.s32 $0x1B8E;
	s24 =	sld [smem:$0x3FFE];
	[sflag:s23] =	ssyncadd.s32 $0xFFFFFFFF  }
0xa5: {  	s26 =	simm.s32 $execute0_lowered;
	[smem:$0x3FD2] =	sst s25  }
0xa6: {  	s5 =	sshll.u32 s26, $0x1;
	_ =	strace $0x80000046;
	[dreg:$0x1] =	wrdreg $0xFFFFFFFF  }
0xa7: {  	s28 =	simm.s32 $_size_execute0_lowered;
	s3 =	sadd.s32 s3, s5;
	[dreg:$0x0] =	wrdreg $0x0  }
0xa8: {  	s5 =	sshll.u32 s28, $0x1;
	[dreg:$0x2] =	wrdreg s3  }
0xa9: {  	[dreg:$0x3] =	wrdreg s5  }
0xaa: {  	[dreg:$0x4] =	wrdreg $0xC0  }
0xab: {  	_ =	task [dreg:s7], $0x5FFFF  }
0xac: {  	[dreg:$0x1] =	wrdreg $0xFFFFFFFF  }
0xad: {  	[dreg:$0x0] =	wrdreg $0x60  }
0xae: {  	[dreg:$0x2] =	wrdreg s24  }
0xaf: {  	[dreg:$0x3] =	wrdreg s2  }
0xb0: {  	[dreg:$0x4] =	wrdreg $0x1C000  }
0xb1: {  	[dreg:$0x5] =	wrdreg $0x9  }
0xb2: {  	_ =	task.clear_ibuf [dreg:s7], $0x6FFFF;
	_ =	strace $0x90000046  }
0xb3: {  	s29 =	simm.s32 $0x9;
	_ =	strace $0x80000048  }
0xb4: {  	_ =	swait.ge [sflag:s29], $0x1  }
0xb5: {  	[sflag:s29] =	ssyncadd.s32 $0xFFFFFFFF  }
0xb6: {  	_ =	strace $0x90000048  }
0xb7: {  	_ =	sfence  }
0xb8: {  	s30 =	sld [smem:$0x0];
	_ =	sdelay $0x2  }
0xb9: {  	s31 =	sshll.u32 s1, $0xD;
	s1 =	sshrl.u32 s1, $0x2  }
0xba: {  	s3 =	sand.u32 $0x4000, s31;
	s1 =	sadd.s32 s1, s30  }
0xbb: {  	s0 =	sor.u32 s3, s0;
	s1 =	sshll.u32 s1, $0x11  }
0xbc: {  	s0 =	sor.u32 s1, s0  }
0xbd: {  	s0 =	sadd.s32 $0x8F2B, s0  }
0xbe: {  	[sflag:s0] =	ssyncadd.remote.s32 $0x1  }
0xbf: {  	_ =	sfence.sel $0xFFFF  }
0xc0: {  	[dreg:$0x0] =	wrdreg $0xFFFFFFFF;
	(pc) =	sbr.abs _section_cstart, $3  }
0xc1: {  	[dreg:$0x1] =	wrdreg $0xFFFFFFFF  }
0xc2: {  	_ =	task.clear_ibuf [dreg:s7], $0x2FFFF;
	_ =	strace $0x9FFFFFFF  }
0xc3: {  	(tm) =	ssettm $0x7FFFFFFF  }
tec
execute0_lowered:
.L_overlay_start_1:
0x0: {  	(tag) =	ssettag $0x1  }
0x1: {  	s0 =	rddreg [dreg:$0x0]  }
0x2: {  	s9 =	rddreg [dreg:$0x1]  }
0x3: {  	s2 =	srdreg.scid;
	s10 =	stileid.u32  }
0x4: {  	s1 =	rddreg [dreg:$0x2];
	s13 =	simm.s32 $0x32;
	s14 =	simm.s32 $0x4180  }
0x5: {  	s16 =	simm.s32 $0xA580;
	s18 =	simm.s32 $0x10980;
	s20 =	simm.s32 $0x16D80  }
0x6: {  	s21 =	simm.s32 $0x1;
	s22 =	simm.s32 $0x2;
	s23 =	simm.s32 $0x3  }
0x7: {  	s24 =	simm.s32 $0x4;
	s25 =	simm.s32 $0x5;
	s28 =	simm.s32 $0x7  }
0x8: {  	s29 =	simm.s32 $0x8;
	s30 =	simm.s32 $0x0;
	s8 =	sand.u32 $0x1, s2  }
0x9: {  	s3 =	sshll.u32 s10, $0x1;
	s2 =	simm.s32 $0x0;
	s11 =	smul.u32 $0xC8000, s10  }
0xa: {  	p0 =	sne.s32 s10, $0x0;
	s3 =	sor.u32 s8, s3;
	s12 =	smul.u32 $0x64000, s8  }
0xb: {  	[smem:$0x7FF] =	sst s2;
	s5 =	ssub.s32 $0x2, s8;
	s4 =	smul.u32 $0x380, s3  }
0xc: {  	_ =	strace $0x80000047;
	s6 =	sshrl.u32 s5, $0x1;
	s7 =	smul.u32 $0x64000, s3  }
0xd: {  	s3 =	sadd.s32 $0x800, s0;
	s11 =	sadd.s32 s11, s9;
	s26 =	ssub.s32 s5, s6  }
0xe: {  	s10 =	sadd.s32 s12, s11;
	s11 =	sshrl.u32 @!p0 s1, $0x3;
	s12 =	simm.s32 $0x9  }
0xf: {  	s4 =	sadd.s32 s4, s0;
	s5 =	smax.u32 s26, $0x1;
	s31 =	sadd.s32 s9, s7  }
0x10: {  	s26 =	simm.s32 $0x6;
	s4 =	sadd.s32 $0x5400, s4;
	s6 =	sadd.s32 $0x60E00, s31  }
0x11: {  	s7 =	sadd.s32 $0x61A80, s31;
	s8 =	sadd.s32 $0x62700, s31;
	s9 =	sadd.s32 $0x63380, s31  }
.LBB2_1:
0x12: {  	s0 =	simm.s32 @!p0 $0x1C09  }
0x13: {  	[spmem:s11], [sflag:s0] =	dma.local @!p0 [hbm:s3], $0x4B00  }
0x14: {  	s0 =	simm.s32 @!p0 $0x9  }
0x15: {  	_ =	swait.ge @!p0 [sflag:s0], $0x4B00  }
0x16: {  	[sflag:s0] =	ssyncset.done @!p0 $0x0  }
0x17: {  	[sflag:s0] =	ssyncadd.s32 @!p0 $0xFFFFB500  }
0x18: {  	[tilespmem:s2], [sflag:$0x9] =	stream.linear.gather [hbm4b:s4+s2], $0x1C00, $0x38;
	[tilespmem:$0x1D180] =	vst v63  }
0x19: {  	_ =	swait.ge [sflag:s12], $0x1C00  }
0x1a: {  	[sflag:s12] =	ssyncset.done $0x0  }
0x1b: {  	[sflag:s12] =	ssyncadd.s32 $0xFFFFE400  }
0x1c: {  	[bflag:$0x0] =	sbarrier.arrive $0xFFFF  }
0x1d: {  	[tilespmem:s14], [sflag:$0x1] =	stream.indirect.gather [spmem:s1], $0x200, s2, s13, $0xb8;
	[tilespmem:$0x1D180] =	vst v63  }
0x1e: {  	s17 =	simm.s32 $0x38  }
0x1f: {  	[tilespmem:s16], [sflag:$0x2] =	stream.indirect.gather [spmem:s1], $0x200, s17, s13, $0xb8;
	[tilespmem:$0x1D180] =	vst v63  }
0x20: {  	s19 =	simm.s32 $0x70  }
0x21: {  	[tilespmem:s18], [sflag:$0x3] =	stream.indirect.gather [spmem:s1], $0x200, s19, s13, $0xb8;
	[tilespmem:$0x1D180] =	vst v63  }
0x22: {  	s15 =	simm.s32 $0xA8  }
0x23: {  	[tilespmem:s20], [sflag:$0x4] =	stream.indirect.gather [spmem:s1], $0x200, s15, s13, $0xb8;
	[tilespmem:$0x1D180] =	vst v63  }
0x24: {  	_ =	swait.ge [sflag:s21], $0x6400  }
0x25: {  	[sflag:s21] =	ssyncset.done $0x0  }
0x26: {  	s17 =	sadd.s32 $0x0, s10;
	[sflag:s21] =	ssyncadd.s32 $0xFFFF9C00  }
0x27: {  	[hbm4b:s17+s2] =	stream.linear.scatter [tilespmem:s14], [sflag:$0x5], $0x6400, $0x38;
	[tilespmem:$0x1D180] =	vst v63  }
0x28: {  	_ =	swait.ge [sflag:s22], $0x6400  }
0x29: {  	[sflag:s22] =	ssyncset.done $0x0  }
0x2a: {  	s15 =	sadd.s32 $0xC80, s17;
	[sflag:s22] =	ssyncadd.s32 $0xFFFF9C00  }
0x2b: {  	[hbm4b:s15+s2] =	stream.linear.scatter [tilespmem:s16], [sflag:$0x6], $0x6400, $0x38;
	[tilespmem:$0x1D180] =	vst v63  }
0x2c: {  	_ =	swait.ge [sflag:s23], $0x6400  }
0x2d: {  	[sflag:s23] =	ssyncset.done $0x0  }
0x2e: {  	s19 =	sadd.s32 $0x1900, s17;
	[sflag:s23] =	ssyncadd.s32 $0xFFFF9C00  }
0x2f: {  	[hbm4b:s19+s2] =	stream.linear.scatter [tilespmem:s18], [sflag:$0x7], $0x6400, $0x38;
	[tilespmem:$0x1D180] =	vst v63  }
0x30: {  	_ =	swait.ge [sflag:s24], $0x6400  }
0x31: {  	[sflag:s24] =	ssyncset.done $0x0  }
0x32: {  	s0 =	sadd.s32 $0x2580, s17;
	[sflag:s24] =	ssyncadd.s32 $0xFFFF9C00  }
0x33: {  	[hbm4b:s0+s2] =	stream.linear.scatter [tilespmem:s20], [sflag:$0x8], $0x6400, $0x38;
	[tilespmem:$0x1D180] =	vst v63  }
0x34: {  	_ =	swait.ge [sflag:s25], $0x6400  }
0x35: {  	[sflag:s25] =	ssyncset.done $0x0  }
0x36: {  	s15 =	simm.s32 $0xE0;
	[sflag:s25] =	ssyncadd.s32 $0xFFFF9C00  }
0x37: {  	[tilespmem:s14], [sflag:$0x1] =	stream.indirect.gather [spmem:s1], $0x200, s15, s13, $0xb8;
	[tilespmem:$0x1D180] =	vst v63  }
0x38: {  	_ =	swait.ge [sflag:s26], $0x6400  }
0x39: {  	[sflag:s26] =	ssyncset.done $0x0  }
0x3a: {  	s17 =	simm.s32 $0x118;
	[sflag:s26] =	ssyncadd.s32 $0xFFFF9C00  }
0x3b: {  	[tilespmem:s16], [sflag:$0x2] =	stream.indirect.gather [spmem:s1], $0x200, s17, s13, $0xb8;
	[tilespmem:$0x1D180] =	vst v63  }
0x3c: {  	_ =	swait.ge [sflag:s28], $0x6400  }
0x3d: {  	[sflag:s28] =	ssyncset.done $0x0  }
0x3e: {  	s19 =	simm.s32 $0x150;
	[sflag:s28] =	ssyncadd.s32 $0xFFFF9C00  }
0x3f: {  	[tilespmem:s18], [sflag:$0x3] =	stream.indirect.gather [spmem:s1], $0x200, s19, s13, $0xb8;
	[tilespmem:$0x1D180] =	vst v63  }
0x40: {  	_ =	swait.ge [sflag:s29], $0x6400  }
0x41: {  	s31 =	simm.s32 $0x188;
	[sflag:s29] =	ssyncset.done $0x0  }
0x42: {  	s0 =	simm.s32 $0x3200;
	s15 =	simm.s32 $0x268;
	[sflag:s29] =	ssyncadd.s32 $0xFFFF9C00  }
.LBB2_2:
0x43: {  	[tilespmem:s20], [sflag:$0x4] =	stream.indirect.gather [spmem:s1], $0x200, s31, s13, $0xb8;
	[tilespmem:$0x1D180] =	vst v63  }
0x44: {  	s17 =	smov.u32 s0;
	s31 =	smov.u32 s15  }
0x45: {  	p1 =	sne.s32 s0, $0x5DC00;
	s0 =	sadd.s32 $0x3200, s0;
	_ =	swait.ge [sflag:s21], $0x6400  }
0x46: {  	[sflag:s21] =	ssyncset.done $0x0  }
0x47: {  	s17 =	sadd.s32 s17, s10;
	[sflag:s21] =	ssyncadd.s32 $0xFFFF9C00  }
0x48: {  	[hbm4b:s17+s2] =	stream.linear.scatter [tilespmem:s14], [sflag:$0x5], $0x6400, $0x38;
	[tilespmem:$0x1D180] =	vst v63  }
0x49: {  	_ =	swait.ge [sflag:s22], $0x6400  }
0x4a: {  	[sflag:s22] =	ssyncset.done $0x0  }
0x4b: {  	s19 =	sadd.s32 $0xC80, s17;
	[sflag:s22] =	ssyncadd.s32 $0xFFFF9C00  }
0x4c: {  	[hbm4b:s19+s2] =	stream.linear.scatter [tilespmem:s16], [sflag:$0x6], $0x6400, $0x38;
	[tilespmem:$0x1D180] =	vst v63  }
0x4d: {  	_ =	swait.ge [sflag:s23], $0x6400  }
0x4e: {  	[sflag:s23] =	ssyncset.done $0x0  }
0x4f: {  	s19 =	sadd.s32 $0x1900, s17;
	[sflag:s23] =	ssyncadd.s32 $0xFFFF9C00  }
0x50: {  	[hbm4b:s19+s2] =	stream.linear.scatter [tilespmem:s18], [sflag:$0x7], $0x6400, $0x38;
	[tilespmem:$0x1D180] =	vst v63  }
0x51: {  	_ =	swait.ge [sflag:s24], $0x6400  }
0x52: {  	[sflag:s24] =	ssyncset.done $0x0  }
0x53: {  	s17 =	sadd.s32 $0x2580, s17;
	[sflag:s24] =	ssyncadd.s32 $0xFFFF9C00  }
0x54: {  	[hbm4b:s17+s2] =	stream.linear.scatter [tilespmem:s20], [sflag:$0x8], $0x6400, $0x38;
	[tilespmem:$0x1D180] =	vst v63  }
0x55: {  	_ =	swait.ge [sflag:s25], $0x6400  }
0x56: {  	[sflag:s25] =	ssyncset.done $0x0  }
0x57: {  	s17 =	sadd.s32 $0xFFFFFF58, s15;
	[sflag:s25] =	ssyncadd.s32 $0xFFFF9C00  }
0x58: {  	[tilespmem:s14], [sflag:$0x1] =	stream.indirect.gather [spmem:s1], $0x200, s17, s13, $0xb8;
	[tilespmem:$0x1D180] =	vst v63  }
0x59: {  	_ =	swait.ge [sflag:s26], $0x6400  }
0x5a: {  	[sflag:s26] =	ssyncset.done $0x0  }
0x5b: {  	s17 =	sadd.s32 $0xFFFFFF90, s15;
	[sflag:s26] =	ssyncadd.s32 $0xFFFF9C00  }
0x5c: {  	[tilespmem:s16], [sflag:$0x2] =	stream.indirect.gather [spmem:s1], $0x200, s17, s13, $0xb8;
	[tilespmem:$0x1D180] =	vst v63  }
0x5d: {  	_ =	swait.ge [sflag:s28], $0x6400  }
0x5e: {  	[sflag:s28] =	ssyncset.done $0x0  }
.Ltmp0:
0x5f: {  	s17 =	sadd.s32 $0xFFFFFFC8, s15;
	[sflag:s28] =	ssyncadd.s32 $0xFFFF9C00;
	(pc) =	sbr.rel @p1 .LBB2_2-.Ltmp0, $4  }
0x60: {  	[tilespmem:s18], [sflag:$0x3] =	stream.indirect.gather [spmem:s1], $0x200, s17, s13, $0xb8;
	[tilespmem:$0x1D180] =	vst v63  }
0x61: {  	_ =	swait.ge [sflag:s29], $0x6400  }
0x62: {  	[sflag:s29] =	ssyncset.done $0x0  }
0x63: {  	s15 =	sadd.s32 $0xE0, s15;
	[sflag:s29] =	ssyncadd.s32 $0xFFFF9C00  }
0x64: {  	[tilespmem:s20], [sflag:$0x4] =	stream.indirect.gather [spmem:s1], $0x200, s31, s13, $0xb8;
	[tilespmem:$0x1D180] =	vst v63  }
0x65: {  	_ =	swait.ge [sflag:s21], $0x6400  }
0x66: {  	[sflag:s21] =	ssyncset.done $0x0  }
0x67: {  	[sflag:s21] =	ssyncadd.s32 $0xFFFF9C00  }
0x68: {  	[hbm4b:s6+s2] =	stream.linear.scatter [tilespmem:s14], [sflag:$0x5], $0x6400, $0x38;
	[tilespmem:$0x1D180] =	vst v63  }
0x69: {  	_ =	swait.ge [sflag:s22], $0x6400  }
0x6a: {  	[sflag:s22] =	ssyncset.done $0x0  }
0x6b: {  	[sflag:s22] =	ssyncadd.s32 $0xFFFF9C00  }
0x6c: {  	[hbm4b:s7+s2] =	stream.linear.scatter [tilespmem:s16], [sflag:$0x6], $0x6400, $0x38;
	[tilespmem:$0x1D180] =	vst v63  }
0x6d: {  	_ =	swait.ge [sflag:s23], $0x6400  }
0x6e: {  	[sflag:s23] =	ssyncset.done $0x0  }
0x6f: {  	[sflag:s23] =	ssyncadd.s32 $0xFFFF9C00  }
0x70: {  	[hbm4b:s8+s2] =	stream.linear.scatter [tilespmem:s18], [sflag:$0x7], $0x6400, $0x38;
	[tilespmem:$0x1D180] =	vst v63  }
0x71: {  	_ =	swait.ge [sflag:s24], $0x6400  }
0x72: {  	[sflag:s24] =	ssyncset.done $0x0  }
0x73: {  	[sflag:s24] =	ssyncadd.s32 $0xFFFF9C00  }
0x74: {  	[hbm4b:s9+s2] =	stream.linear.scatter [tilespmem:s20], [sflag:$0x8], $0x6400, $0x38;
	[tilespmem:$0x1D180] =	vst v63  }
0x75: {  	_ =	swait.ge [sflag:s25], $0x6400  }
0x76: {  	[sflag:s25] =	ssyncset.done $0x0  }
0x77: {  	[sflag:s25] =	ssyncadd.s32 $0xFFFF9C00  }
0x78: {  	_ =	swait.ge [sflag:s26], $0x6400  }
0x79: {  	[sflag:s26] =	ssyncset.done $0x0  }
0x7a: {  	s30 =	sadd.s32 $0x1, s30;
	[sflag:s26] =	ssyncadd.s32 $0xFFFF9C00  }
0x7b: {  	p1 =	sne.s32 s30, s5;
	_ =	swait.ge [sflag:s28], $0x6400  }
.Ltmp1:
0x7c: {  	[sflag:s28] =	ssyncset.done $0x0;
	(pc) =	sbr.rel @p1 .LBB2_1-.Ltmp1, $4  }
0x7d: {  	[sflag:s28] =	ssyncadd.s32 $0xFFFF9C00  }
0x7e: {  	_ =	swait.ge [sflag:s29], $0x6400  }
0x7f: {  	[sflag:s29] =	ssyncset.done $0x0  }
0x80: {  	[sflag:s29] =	ssyncadd.s32 $0xFFFF9C00  }
0x81: {  	_ =	sfence.sel $0x180000  }
0x82: {  	[bflag:$0x0] =	sbarrier.arrive $0xFFFF  }
0x83: {  	_ =	strace $0x90000047  }
0x84: {  	[bflag:$0x2] =	sbarrier.arrive $0xFFFF  }
0x85: {  	s0 =	rddreg [dreg:$0x3]  }
0x86: {  	s0 =	sadd.s32 @!p0 $0x100000, s0  }
0x87: {  	[sflag:s0] =	ssyncadd.tile.s32 @!p0 $0x1;
	_ =	shalt  }
.Lfunc_end2:
_tile_overlayer_lowered:
.L_overlay_start_2:
0x88: {  	(tag) =	ssettag $0x2  }
0x89: {  	s0 =	rddreg [dreg:$0x0];
	s2 =	stileid.u32  }
0x8a: {  	s1 =	rddreg [dreg:$0x1];
	p0 =	sne.s32 s2, $0x0  }
0x8b: {  	s3 =	rddreg [dreg:$0x2];
	[bflag:$0x3] =	sbarrier.arrive $0xFFFF;
	s2 =	simm.s32 @!p0 $0x1C09  }
0x8c: {  	[timem:s3], [sflag:s2] =	dma.local @!p0 [hbm:s0], s1  }
0x8d: {  	s0 =	simm.s32 @!p0 $0x9  }
0x8e: {  	_ =	swait.ge @!p0 [sflag:s0], s1  }
0x8f: {  	s1 =	ssub.s32 @!p0 $0x0, s1;
	[sflag:s0] =	ssyncset.done @!p0 $0x0  }
0x90: {  	[sflag:s0] =	ssyncadd.s32 @!p0 s1  }
0x91: {  	[bflag:$0x3] =	sbarrier.arrive $0xFFFF  }
0x92: {  	_ =	shalt  }

// kernel: sparse-core-data-format-call.cloned.1.call-start
scs
called_computation_lowered:
.L_overlay_start_0:
0x0: {  	s2 =	sld [smem:$0x3FD9]  }
0x1: {  	s3 =	sld [smem:$0x3FFE];
	_ =	sdelay $0x1  }
0x2: {  	s1 =	srdreg.scid  }
0x3: {  	s0 =	sand.u32 $0x1, s1  }
0x4: {  	s18 =	sshll.u32 s0, $0xA;
	s2 =	sadd.s32 s3, s2  }
0x5: {  	s2 =	sadd.s32 s2, s18  }
0x6: {  	[smem:$0x3FC6] =	sst s2  }
0x7: {  	_ = 	snop  }
0x8: {  	s2 =	sld [smem:$0x3FD0];
	(tm) =	ssettm $0x1  }
0x9: {  	s19 =	sld [smem:$0x3FFB];
	_ =	sdelay $0x3  }
0xa: {  	_ =	strace s19  }
0xb: {  	s3 =	sld [smem:$0x3FFC];
	_ =	sdelay $0x3  }
0xc: {  	_ =	strace s3  }
0xd: {  	s3 =	sld [smem:$0x3FFD];
	_ =	sdelay $0x3  }
0xe: {  	_ =	strace s3  }
0xf: {  	_ =	strace $0x8FFFFFFF  }
0x10: {  	s20 =	sld [smem:$0x3FDB];
	_ =	sdelay $0x1  }
0x11: {  	s4 =	simm.s32 $_scs_section_size  }
0x12: {  	s5 =	simm.s32 $_size__tile_overlayer_lowered;
	s6 =	simm.s32 $_tile_overlayer_lowered  }
0x13: {  	s23 =	simm.s32 $0x1BFF;
	s22 =	sshll.u32 s6, $0x1;
	s3 =	sadd.s32 s4, s20  }
0x14: {  	s7 =	simm.s32 $0x0;
	s21 =	sshll.u32 s5, $0x1;
	s5 =	sadd.s32 s22, s3  }
0x15: {  	[timem:s7], [sflag:s23] =	dma.local [hbm:s5], s21  }
0x16: {  	_ =	swait.ge [sflag:s23], s21  }
0x17: {  	s4 =	ssub.s32 $0x0, s21;
	[sflag:s23] =	ssyncset.done $0x0  }
0x18: {  	[sflag:s23] =	ssyncadd.s32 s4;
	_ =	sdelay $0x1  }
0x19: {  	s24 =	simm.s32 $0x1B8B  }
0x1a: {  	_ =	swait.ge [sflag:s24], $0x1  }
0x1b: {  	[sflag:s24] =	ssyncset.done $0x0  }
0x1c: {  	s26 =	simm.s32 $0x1B8E;
	s25 =	sld [smem:$0x3FFE];
	[sflag:s24] =	ssyncadd.s32 $0xFFFFFFFF  }
0x1d: {  	s27 =	simm.s32 $execute0_lowered;
	[smem:$0x3FD2] =	sst s26  }
0x1e: {  	s5 =	sshll.u32 s27, $0x1;
	_ =	strace $0x80000049;
	[dreg:$0x1] =	wrdreg $0xFFFFFFFF  }
0x1f: {  	s28 =	simm.s32 $_size_execute0_lowered;
	s3 =	sadd.s32 s3, s5;
	[dreg:$0x0] =	wrdreg $0x0  }
0x20: {  	s5 =	sshll.u32 s28, $0x1;
	[dreg:$0x2] =	wrdreg s3  }
0x21: {  	[dreg:$0x3] =	wrdreg s5  }
0x22: {  	[dreg:$0x4] =	wrdreg $0xC0  }
0x23: {  	_ =	task [dreg:s7], $0x5FFFF  }
0x24: {  	[dreg:$0x1] =	wrdreg $0xFFFFFFFF  }
0x25: {  	[dreg:$0x0] =	wrdreg $0x60  }
0x26: {  	[dreg:$0x2] =	wrdreg s25  }
0x27: {  	[dreg:$0x3] =	wrdreg s2  }
0x28: {  	[dreg:$0x4] =	wrdreg $0x9  }
0x29: {  	_ =	task.clear_ibuf [dreg:s7], $0x5FFFF;
	_ =	strace $0x90000049  }
0x2a: {  	s29 =	simm.s32 $0x9;
	_ =	strace $0x8000004B  }
0x2b: {  	_ =	swait.ge [sflag:s29], $0x1  }
0x2c: {  	[sflag:s29] =	ssyncadd.s32 $0xFFFFFFFF  }
0x2d: {  	_ =	strace $0x9000004B  }
0x2e: {  	_ =	sfence  }
0x2f: {  	s30 =	sld [smem:$0x0];
	_ =	sdelay $0x2  }
0x30: {  	s31 =	sshll.u32 s1, $0xD;
	s1 =	sshrl.u32 s1, $0x2  }
0x31: {  	s3 =	sand.u32 $0x4000, s31;
	s1 =	sadd.s32 s1, s30  }
0x32: {  	s0 =	sor.u32 s3, s0;
	s1 =	sshll.u32 s1, $0x11  }
0x33: {  	s0 =	sor.u32 s1, s0  }
0x34: {  	s0 =	sadd.s32 $0x8F2B, s0  }
0x35: {  	[sflag:s0] =	ssyncadd.remote.s32 $0x1  }
0x36: {  	_ =	sfence.sel $0xFFFF  }
0x37: {  	[dreg:$0x0] =	wrdreg $0xFFFFFFFF;
	(pc) =	sbr.abs _section_cstart, $3  }
0x38: {  	[dreg:$0x1] =	wrdreg $0xFFFFFFFF  }
0x39: {  	_ =	task.clear_ibuf [dreg:s7], $0x2FFFF;
	_ =	strace $0x9FFFFFFF  }
0x3a: {  	(tm) =	ssettm $0x7FFFFFFF  }
0x3b: {  	_ =	shalt  }
tec
execute0_lowered:
.L_overlay_start_1:
0x0: {  	(tag) =	ssettag $0x1  }
0x1: {  	s0 =	srdreg.scid  }
0x2: {  	s1 =	sshll.u32 s0, $0x4  }
0x3: {  	s6 =	rddreg [dreg:$0x0];
	s0 =	stileid.u32;
	s1 =	sand.u32 $0x10, s1  }
0x4: {  	s3 =	rddreg [dreg:$0x1];
	s1 =	sor.u32 s0, s1  }
0x5: {  	s5 =	simm.s32 $0x1;
	s31 =	simm.s32 $0x2;
	s2 =	sshll.u32 s1, $0x7  }
0x6: {  	s14 =	simm.s32 $0x0;
	s8 =	simm.s32 $0x1000;
	s4 =	ssub.s32 $0x1000, s2  }
0x7: {  	s9 =	simm.s32 $0x0;
	s15 =	simm.s32 $0x0;
	s30 =	sand.u32 $0xF80, s4  }
0x8: {  	s16 =	simm.s32 $0x0;
	s10 =	simm.s32 $0x0;
	p0 =	sne.s32 s30, $0x0  }
.Ltmp0:
0x9: {  	s7 =	sshrl.u32 s4, $0xC;
	s5 =	simm.s32 @!p0 $0x0;
	(pc) =	sbr.rel .LBB1_1-.Ltmp0, $4  }
0xa: {  	s11 =	simm.s32 $0x0;
	s1 =	rddreg [dreg:$0x2];
	s5 =	sadd.s32 s5, s7  }
0xb: {  	_ =	strace $0x8000004A;
	s4 =	simm.s32 $0x1;
	s5 =	smul.u32 $0xC8, s5  }
0xc: {  	s13 =	simm.s32 $0x0;
	s6 =	sadd.s32 $0x800, s6;
	[sflag:s4] =	ssyncpa.u1 $0x0  }
0xd: {  	s12 =	smov.u32 s2;
	[sflag:s31] =	ssyncpa.u1 $0x0;
	s7 =	sor.u32 $0x1, s5  }
.LBB1_4:
0xe: {  	_ =	sdelay $0x3  }
0xf: {  	[tilespmem:v0+s19+$0xFFFFFFD0 ss:$0x1] =	vst.idx.msk $0xffff, v6  }
0x10: {  	v56 =	vld.idx.msk [tilespmem:v1+s18+$0x0 ss:$0x1], $0xffff;
	[tilespmem:v0+s19+$0xFFFFFFE0 ss:$0x1] =	vst.idx.msk $0xffff, v4  }
0x11: {  	v57 =	vld.idx.msk [tilespmem:v1+s18+$0xFFFFFF90 ss:$0x1], $0xffff;
	[tilespmem:v0+s19+$0xFFFFFFF0 ss:$0x1] =	vst.idx.msk $0xffff, v2  }
0x12: {  	v58 =	vld.idx.msk [tilespmem:v1+s18+$0xFFFFFFA0 ss:$0x1], $0xffff;
	[tilespmem:v0+s19+$0x0 ss:$0x1] =	vst.idx.msk $0xffff, v3  }
0x13: {  	v59 =	vld.idx.msk [tilespmem:v1+s18+$0xFFFFFFB0 ss:$0x1], $0xffff;
	[tilespmem:v0+s19+$0x10 ss:$0x1] =	vst.idx.msk $0xffff, v5  }
0x14: {  	v60 =	vld.idx.msk [tilespmem:v1+s18+$0xFFFFFFC0 ss:$0x1], $0xffff;
	[tilespmem:v0+s19+$0x20 ss:$0x1] =	vst.idx.msk $0xffff, v7  }
0x15: {  	v61 =	vld.idx.msk [tilespmem:v1+s18+$0xFFFFFFD0 ss:$0x1], $0xffff;
	s27 =	sshll.u32 s16, $0x9;
	[tilespmem:v0+s18+$0x30 ss:$0x1] =	vst.idx.msk $0xffff, v56  }
0x16: {  	s20 =	sshll.u32 s14, $0x3;
	v62 =	vld.idx.msk [tilespmem:v1+s18+$0xFFFFFFE0 ss:$0x1], $0xffff;
	s28 =	sshll.u32 s16, $0x7;
	s30 =	sand.u32 $0x78, s14;
	[tilespmem:v0+s18+$0xFFFFFFC0 ss:$0x1] =	vst.idx.msk $0xffff, v57  }
0x17: {  	v63 =	vld.idx.msk [tilespmem:v1+s18+$0xFFFFFFF0 ss:$0x1], $0xffff;
	s15 =	sshll.u32 s15, $0x12;
	s19 =	sand.u32 $0x1FF000, s27;
	s20 =	sand.u32 $0x1FFC00, s20;
	[tilespmem:v0+s18+$0xFFFFFFD0 ss:$0x1] =	vst.idx.msk $0xffff, v58  }
0x18: {  	s29 =	sand.u32 $0x200, s28;
	s16 =	sand.u32 $0x180, s28;
	s19 =	sadd.s32 s19, s20;
	[tilespmem:v0+s18+$0xFFFFFFE0 ss:$0x1] =	vst.idx.msk $0xffff, v59  }
0x19: {  	s31 =	sand.u32 $0x7, s14;
	s16 =	sor.u32 s16, s30;
	s19 =	sor.u32 s29, s19;
	[tilespmem:v0+s18+$0xFFFFFFF0 ss:$0x1] =	vst.idx.msk $0xffff, v60  }
0x1a: {  	s15 =	sadd.s32 s3, s15;
	s16 =	sshrl.u32 s16, $0x3;
	s19 =	sshrl.u32 s19, $0x3;
	[tilespmem:v0+s18+$0x0 ss:$0x1] =	vst.idx.msk $0xffff, v61  }
0x1b: {  	s14 =	sshll.u32 s31, $0x12;
	s15 =	sadd.s32 s16, s15;
	[tilespmem:v0+s18+$0x10 ss:$0x1] =	vst.idx.msk $0xffff, v62;
	s19 =	sand.u32 $0x3FFC0, s19  }
0x1c: {  	s14 =	sor.u32 $0x400, s14;
	[tilespmem:v0+s18+$0x20 ss:$0x1] =	vst.idx.msk $0xffff, v63;
	s15 =	sadd.s32 s19, s15  }
0x1d: {  	[hbm4b:s15+s14] =	stream.strided.scatter [tilespmem:s17], [sflag:$0x2], $0x4000, s8, s14, $0x38;
	[tilespmem:$0x10000] =	vst v63  }
.LBB1_5:
0x1e: {  	s17 =	sadd.s32 $0x80, s10  }
0x1f: {  	s14 =	simm.s32 $0x1;
	p1 =	sgt.s32 s17, $0x1FF  }
0x20: {  	s14 =	simm.s32 @!p1 $0x0  }
0x21: {  	s18 =	sadd.s32 s14, s11  }
0x22: {  	s20 =	smov.u32 s12;
	s14 =	sadd.s32 $0x1000, s12;
	p2 =	sgt.s32 s18, $0x31  }
0x23: {  	s20 =	smov.u32 @p2 s14  }
0x24: {  	p0 =	slt.u32 s13, $0x2;
	s17 =	simm.s32 @p1 $0x0;
	p1 =	sgt.s32 s20, $0xFFF  }
0x25: {  	s19 =	simm.s32 @!p0 $0x2;
	s20 =	smov.u32 @p1 s2;
	p1 =	sne.s32 s13, s7  }
.Ltmp1:
0x26: {  	_ =	swait.ge @!p0 [sflag:s19], $0x4000;
	(pc) =	sbr.rel @!p1 .LBB1_6-.Ltmp1, $4  }
0x27: {  	s15 =	smov.u32 s11;
	[sflag:s19] =	ssyncset.done @!p0 $0x0  }
0x28: {  	s16 =	smov.u32 s12;
	s9 =	sadd.s32 $0x4000, s9;
	[sflag:s19] =	ssyncadd.s32 @!p0 $0xFFFFC000  }
0x29: {  	s18 =	simm.s32 @p2 $0x0;
	s14 =	smov.u32 s10;
	s10 =	smov.u32 s17  }
0x2a: {  	s11 =	smov.u32 s18;
	s13 =	sadd.s32 $0x1, s13;
	s12 =	smov.u32 s20  }
.LBB1_1:
0x2b: {  	p0 =	sge.u32 s13, s5  }
0x2c: {  	s17 =	sshll.u32 @!p0 s11, $0x9;
	s18 =	sshll.u32 @!p0 s10, $0x3  }
0x2d: {  	s19 =	sshll.u32 @!p0 s11, $0x7;
	s17 =	sand.u32 @!p0 $0xFFFFF000, s17;
	s18 =	sand.u32 @!p0 $0xFFFFFC00, s18  }
0x2e: {  	s17 =	sadd.s32 @!p0 s17, s18;
	s18 =	sand.u32 @!p0 $0x200, s19  }
0x2f: {  	s17 =	sor.u32 @!p0 s18, s17  }
0x30: {  	s17 =	sshrl.u32 @!p0 s17, $0x9  }
0x31: {  	s31 =	sadd.s32 $0xFFFFFFFF, s13;
	s18 =	smulhi.u32 @!p0 $0x4924925, s17  }
0x32: {  	s20 =	sxor.u32 @!p0 $0xFFFFFFFF, s13;
	s21 =	sand.u32 @!p0 $0x78, s10;
	s22 =	smul.u32 @!p0 $0xE00, s12  }
0x33: {  	s20 =	sshll.u32 @!p0 s20, $0xE;
	s19 =	sand.u32 @!p0 $0x180, s19;
	s18 =	smul.u32 @!p0 $0x38, s18  }
0x34: {  	s20 =	sand.u32 @!p0 $0x4000, s20;
	s19 =	sor.u32 @!p0 s21, s19;
	s21 =	sand.u32 @!p0 $0x7, s10  }
0x35: {  	s17 =	ssub.s32 @!p0 s17, s18;
	s18 =	sshrl.u32 @!p0 s19, $0x3;
	s19 =	sadd.s32 @!p0 s6, s22  }
0x36: {  	s17 =	sshll.u32 @!p0 s17, $0x6;
	s18 =	sadd.s32 @!p0 s18, s19;
	s19 =	sshll.u32 @!p0 s21, $0x12  }
0x37: {  	s17 =	sadd.s32 @!p0 s17, s18;
	s18 =	sor.u32 @!p0 $0x80, s19;
	s19 =	simm.s32 @!p0 $0x7000  }
0x38: {  	[tilespmem:s20], [sflag:$0x1] =	stream.strided.gather @!p0 [hbm4b:s17+s18], $0x4000, s19, s18, $0x38;
	[tilespmem:$0x10000] =	vst v63  }
0x39: {  	p0 =	sge.u32 s31, s5  }
.Ltmp2:
0x3a: {  	_ = 	snop;
	(pc) =	sbr.rel @p0 .LBB1_5-.Ltmp2, $1  }
0x3b: {  	_ =	sdelay $0x3  }
0x3c: {  	s17 =	sand.u32 $0x4000, s9  }
0x3d: {  	s18 =	sor.u32 $0x70, s17  }
0x3e: {  	v1 =	vmov s18;
	_ =	sdelay $0x1  }
0x3f: {  	_ =	swait.ge [sflag:s4], $0x4000  }
0x40: {  	[sflag:s4] =	ssyncset.done $0x0  }
0x41: {  	s19 =	simm.s32 $0x0;
	[sflag:s4] =	ssyncadd.s32 $0xFFFFC000  }
0x42: {  	s17 =	sor.u32 $0x8040, s17;
	v7 =	vld.idx.msk [tilespmem:v1+s19+$0x0 ss:$0x1], $0xffff  }
0x43: {  	v0 =	vmov s17;
	v8 =	vld.idx.msk [tilespmem:v1+s19+$0xFFFFFF90 ss:$0x1], $0xffff  }
0x44: {  	v6 =	vld.idx.msk [tilespmem:v1+s19+$0xFFFFFFA0 ss:$0x1], $0xffff  }
0x45: {  	v4 =	vld.idx.msk [tilespmem:v1+s19+$0xFFFFFFB0 ss:$0x1], $0xffff  }
0x46: {  	v2 =	vld.idx.msk [tilespmem:v1+s19+$0xFFFFFFC0 ss:$0x1], $0xffff  }
0x47: {  	s31 =	sshll.u32 s13, $0xE;
	v3 =	vld.idx.msk [tilespmem:v1+s19+$0xFFFFFFD0 ss:$0x1], $0xffff  }
0x48: {  	s17 =	sand.u32 $0x4000, s31;
	v5 =	vld.idx.msk [tilespmem:v1+s19+$0xFFFFFFE0 ss:$0x1], $0xffff;
	[tilespmem:v0+s19+$0x30 ss:$0x1] =	vst.idx.msk $0xffff, v7  }
0x49: {  	s20 =	simm.s32 $0x400;
	s18 =	simm.s32 $0x80;
	s17 =	sor.u32 $0x8000, s17;
	[tilespmem:v0+s19+$0xFFFFFFC0 ss:$0x1] =	vst.idx.msk $0xffff, v8;
	v7 =	vld.idx.msk [tilespmem:v1+s19+$0xFFFFFFF0 ss:$0x1], $0xffff  }
.LBB1_3:
0x4a: {  	p0 =	sne.s32 s20, $0xFE00;
	v8 =	vld.idx.msk [tilespmem:v1+s18+$0x0 ss:$0x1], $0xffff;
	[tilespmem:v0+s19+$0xFFFFFFD0 ss:$0x1] =	vst.idx.msk $0xffff, v6  }
0x4b: {  	v9 =	vld.idx.msk [tilespmem:v1+s18+$0xFFFFFF90 ss:$0x1], $0xffff;
	[tilespmem:v0+s19+$0xFFFFFFE0 ss:$0x1] =	vst.idx.msk $0xffff, v4  }
0x4c: {  	v6 =	vld.idx.msk [tilespmem:v1+s18+$0xFFFFFFA0 ss:$0x1], $0xffff;
	[tilespmem:v0+s19+$0xFFFFFFF0 ss:$0x1] =	vst.idx.msk $0xffff, v2  }
.Ltmp3:
0x4d: {  	v4 =	vld.idx.msk [tilespmem:v1+s18+$0xFFFFFFB0 ss:$0x1], $0xffff;
	[tilespmem:v0+s19+$0x0 ss:$0x1] =	vst.idx.msk $0xffff, v3;
	(pc) =	sbr.rel @p0 .LBB1_3-.Ltmp3, $4  }
0x4e: {  	v2 =	vld.idx.msk [tilespmem:v1+s18+$0xFFFFFFC0 ss:$0x1], $0xffff;
	[tilespmem:v0+s19+$0x10 ss:$0x1] =	vst.idx.msk $0xffff, v5  }
0x4f: {  	v3 =	vld.idx.msk [tilespmem:v1+s18+$0xFFFFFFD0 ss:$0x1], $0xffff;
	[tilespmem:v0+s19+$0x20 ss:$0x1] =	vst.idx.msk $0xffff, v7;
	s19 =	smov.u32 s18  }
0x50: {  	v5 =	vld.idx.msk [tilespmem:v1+s19+$0xFFFFFFE0 ss:$0x1], $0xffff;
	[tilespmem:v0+s19+$0x30 ss:$0x1] =	vst.idx.msk $0xffff, v8  }
0x51: {  	s18 =	sshra.s32 s20, $0x2;
	s20 =	sadd.s32 $0x200, s20;
	[tilespmem:v0+s19+$0xFFFFFFC0 ss:$0x1] =	vst.idx.msk $0xffff, v9;
	v7 =	vld.idx.msk [tilespmem:v1+s19+$0xFFFFFFF0 ss:$0x1], $0xffff  }
.Ltmp4:
0x52: {  	_ = 	snop;
	(pc) =	sbr.rel .LBB1_4-.Ltmp4, $1  }
0x53: {  	_ =	sdelay $0x3  }
.LBB1_6:
0x54: {  	_ =	sfence.sel $0x180000  }
0x55: {  	s2 =	simm.s32 $0x1;
	[bflag:$0x0] =	sbarrier.arrive $0xFFFF  }
0x56: {  	s31 =	simm.s32 $0x2;
	[sflag:s2] =	ssyncpa.u1 $0x1  }
0x57: {  	[sflag:s31] =	ssyncpa.u1 $0x1  }
0x58: {  	p0 =	sne.s32 s0, $0x0;
	_ =	strace $0x9000004A  }
0x59: {  	s0 =	sadd.s32 @!p0 $0x100000, s1;
	[bflag:$0x2] =	sbarrier.arrive $0xFFFF  }
0x5a: {  	[sflag:s0] =	ssyncadd.tile.s32 @!p0 $0x1;
	_ =	shalt  }
.Lfunc_end1:
_tile_overlayer_lowered:
.L_overlay_start_2:
0x5b: {  	(tag) =	ssettag $0x2  }
0x5c: {  	s0 =	rddreg [dreg:$0x0];
	s2 =	stileid.u32  }
0x5d: {  	s1 =	rddreg [dreg:$0x1];
	p0 =	sne.s32 s2, $0x0  }
0x5e: {  	s3 =	rddreg [dreg:$0x2];
	[bflag:$0x3] =	sbarrier.arrive $0xFFFF;
	s2 =	simm.s32 @!p0 $0x1C01  }
0x5f: {  	[timem:s3], [sflag:s2] =	dma.local @!p0 [hbm:s0], s1  }
0x60: {  	s0 =	simm.s32 @!p0 $0x1  }
0x61: {  	_ =	swait.ge @!p0 [sflag:s0], s1  }
0x62: {  	s1 =	ssub.s32 @!p0 $0x0, s1;
	[sflag:s0] =	ssyncset.done @!p0 $0x0  }
0x63: {  	[sflag:s0] =	ssyncadd.s32 @!p0 s1  }
0x64: {  	[bflag:$0x3] =	sbarrier.arrive $0xFFFF  }
0x65: {  	_ =	shalt  }

</sc_bundles>
